<compile_context>
chip_gen: v7x
topology: tpu7x:2x2x1
jax: 0.10.2.dev20260603
libtpu: 0.0.44.dev20260713+nightly
codegen_flags: <defaults>
</compile_context>

<pallas_src>
import functools

import jax
import jax.numpy as jnp
from jax import lax
from jax.experimental import pallas as pl
from jax.experimental.pallas import tpu as pltpu
from jax.experimental.pallas import tpu_sc as plsc

_NC = 2
_NS = 16
_NW = _NC * _NS
_L = 16


def _make_sc_prep(E, N):
    ept_h = (E // (_NS * 128)) * 128
    epw = (E // (_NW * 64)) * 64
    main_base = _NW * epw
    rem = E - main_base
    rem_h = rem // _NS
    npad = ((N + _NS * _L - 1) // (_NS * _L)) * (_NS * _L)
    nslice = npad // _NS
    g_main = epw // _L

    mesh = plsc.VectorSubcoreMesh(core_axis_name="c", subcore_axis_name="s")

    @functools.partial(
        pl.kernel,
        out_type=jax.ShapeDtypeStruct((E,), jnp.float32),
        mesh=mesh,
        compiler_params=pltpu.CompilerParams(needs_layout_passes=False),
        scratch_types=[
            pltpu.VMEM((ept_h + rem,), jnp.int32),
            pltpu.VMEM((epw + rem,), jnp.int32),
            pltpu.VMEM((npad,), jnp.float32),
            pltpu.VMEM((_NS, nslice), jnp.float32),
            pltpu.VMEM((nslice,), jnp.float32),
            pltpu.VMEM((npad,), jnp.float32),
            pltpu.VMEM((npad,), jnp.int32),
            pltpu.VMEM((epw + rem,), jnp.float32),
            pltpu.VMEM_SHARED((_NS, npad), jnp.float32),
            pltpu.VMEM_SHARED((npad,), jnp.float32),
            pltpu.SemaphoreType.DMA,
            pltpu.SemaphoreType.DMA,
        ],
    )
    def sc_prep(eidx_hbm, batch_hbm, combo_hbm,
                ebuf, ebuf_c, hist, parts, winv_s, winv, batch_l, cbuf,
                sh_hist, sh_winv, sem_b, sem_e):
        c = lax.axis_index("c")
        s = lax.axis_index("s")
        w = c * _NS + s
        esrc = eidx_hbm.at[0]

        cp_batch = pltpu.async_copy(batch_hbm, batch_l.at[pl.ds(0, N)], sem_b)
        cp_edges = pltpu.async_copy(esrc.at[pl.ds(w * epw, epw)],
                                    ebuf_c.at[pl.ds(0, epw)], sem_e)

        @plsc.parallel_loop(0, npad // _L)
        def _(i):
            hist[pl.ds(i * _L, _L)] = jnp.zeros((_L,), jnp.float32)

        pltpu.sync_copy(esrc.at[pl.ds(s * ept_h, ept_h)],
                        ebuf.at[pl.ds(0, ept_h)])
        pltpu.sync_copy(esrc.at[pl.ds(main_base, rem)],
                        ebuf.at[pl.ds(ept_h, rem)])
        ones = jnp.ones((_L,), jnp.float32)

        def hist_body(i, _):
            base = i * (4 * _L)
            for k in range(4):
                idx = ebuf[pl.ds(base + k * _L, _L)]
                plsc.addupdate_scatter(hist, [idx], ones)
            return 0
        lax.fori_loop(0, ept_h // (4 * _L), hist_body, 0)
        plsc.addupdate_scatter(hist, [ebuf[pl.ds(ept_h + s * rem_h, _L)]],
                               ones)

        pltpu.sync_copy(hist, sh_hist.at[s])
        plsc.subcore_barrier()

        pltpu.sync_copy(sh_hist.at[:, pl.ds(s * nslice, nslice)], parts)
        cp_batch.wait()

        @plsc.parallel_loop(0, nslice // _L)
        def _(j):
            acc = jnp.zeros((_L,), jnp.float32)
            for t in range(_NS):
                acc = acc + parts[t, pl.ds(j * _L, _L)]
            bt = batch_l[pl.ds(s * nslice + j * _L, _L)]
            winv_s[pl.ds(j * _L, _L)] = (bt.astype(jnp.float32)
                                         + 0.5 / jnp.maximum(acc, 1.0))

        pltpu.sync_copy(winv_s, sh_winv.at[pl.ds(s * nslice, nslice)])
        plsc.subcore_barrier()

        pltpu.sync_copy(sh_winv, winv)

        @pl.when(w == 0)
        def _():
            pltpu.sync_copy(esrc.at[pl.ds(main_base, rem)],
                            ebuf_c.at[pl.ds(epw, rem)])

        cp_edges.wait()

        def gat_one(i):
            idx = ebuf_c[pl.ds(i * _L, _L)]
            cbuf[pl.ds(i * _L, _L)] = plsc.load_gather(winv, [idx])

        @plsc.parallel_loop(0, g_main // 4, unroll=4)
        def _(i4):
            for k in range(4):
                gat_one(i4 * 4 + k)

        pltpu.sync_copy(cbuf.at[pl.ds(0, epw)],
                        combo_hbm.at[pl.ds(w * epw, epw)])

        @pl.when(w == 0)
        def _():
            @plsc.parallel_loop(g_main, g_main + rem // _L)
            def _(i):
                gat_one(i)
            pltpu.sync_copy(cbuf.at[pl.ds(epw, rem)],
                            combo_hbm.at[pl.ds(main_base, rem)])

    return sc_prep


def _mm(a, b):
    return lax.dot_general(a, b, (((1,), (0,)), ((), ())),
                           preferred_element_type=jnp.float32,
                           precision=lax.Precision.HIGHEST)


def _mm_fast(a, b):
    return lax.dot_general(a, b, (((1,), (0,)), ((), ())),
                           preferred_element_type=jnp.float32)


def _make_tc_nodeagg(N, B, DIM, n_blk, nb):

    def body(bt_ref, x_ref, xsum_ref, cnt_ref, acc_v, cnt):
        i = pl.program_id(0)

        @pl.when(i == 0)
        def _():
            acc_v[...] = jnp.zeros_like(acc_v)
            cnt[...] = jnp.zeros_like(cnt)

        bt = bt_ref[0]
        niota = lax.broadcasted_iota(jnp.int32, (B, nb), 0)
        onehot_v = jnp.where(bt == niota, 1.0, 0.0)
        acc_v[...] = acc_v[...] + _mm_fast(onehot_v.astype(jnp.bfloat16),
                                           x_ref[...].astype(jnp.bfloat16))
        cnt[...] = cnt[...] + jnp.sum(onehot_v, axis=1, keepdims=True)

        @pl.when(i == n_blk - 1)
        def _():
            xsum_ref[...] = acc_v[...]
            cnt_ref[...] = cnt[...]

    full2 = lambda i: (0, 0)
    return pl.pallas_call(
        body,
        grid=(n_blk,),
        in_specs=[
            pl.BlockSpec((1, 1, nb), lambda i: (i, 0, 0)),
            pl.BlockSpec((nb, DIM), lambda i: (i, 0)),
        ],
        out_specs=[
            pl.BlockSpec((B, DIM), full2),
            pl.BlockSpec((B, 128), full2),
        ],
        out_shape=[
            jax.ShapeDtypeStruct((B, DIM), jnp.float32),
            jax.ShapeDtypeStruct((B, 128), jnp.float32),
        ],
        scratch_shapes=[
            pltpu.VMEM((B, DIM), jnp.float32),
            pltpu.VMEM((B, 128), jnp.float32),
        ],
        compiler_params=pltpu.CompilerParams(
            dimension_semantics=("arbitrary",)),
    )


def _make_tc_edge(E, B, DIM, n_blk, eb):

    def body(cb_ref, ea_ref, xsum_ref, cnt_ref, u_ref,
             w1_ref, b1_ref, w2_ref, b2_ref,
             out_ref, acc_e):
        i = pl.program_id(0)

        @pl.when(i == 0)
        def _():
            acc_e[...] = jnp.zeros_like(acc_e)

        v = cb_ref[0]
        gef = jnp.floor(v)
        we = (v - gef) * 2.0
        ge = gef.astype(jnp.int32)
        giota = lax.broadcasted_iota(jnp.int32, (B, eb), 0)
        onehot_e = jnp.where(ge == giota, jnp.broadcast_to(we, (B, eb)), 0.0)
        acc_e[...] = acc_e[...] + _mm_fast(onehot_e.astype(jnp.bfloat16),
                                           ea_ref[...].astype(jnp.bfloat16))

        @pl.when(i == n_blk - 1)
        def _():
            n = jnp.maximum(cnt_ref[:, 0:1], 1.0)
            ue = acc_e[...] / n
            uv = xsum_ref[...] / n
            h = (_mm(ue, w1_ref[0:DIM, :]) + _mm(uv, w1_ref[DIM:2 * DIM, :])
                 + _mm(u_ref[...], w1_ref[2 * DIM:3 * DIM, :]) + b1_ref[...])
            h = jnp.maximum(h, 0.0)
            out_ref[...] = _mm(h, w2_ref[...]) + b2_ref[...]

    full2 = lambda i: (0, 0)
    return pl.pallas_call(
        body,
        grid=(n_blk,),
        in_specs=[
            pl.BlockSpec((1, 1, eb), lambda i: (i, 0, 0)),
            pl.BlockSpec((eb, DIM), lambda i: (i, 0)),
            pl.BlockSpec((B, DIM), full2),
            pl.BlockSpec((B, 128), full2),
            pl.BlockSpec((B, DIM), full2),
            pl.BlockSpec((3 * DIM, DIM), full2),
            pl.BlockSpec((1, DIM), full2),
            pl.BlockSpec((DIM, DIM), full2),
            pl.BlockSpec((1, DIM), full2),
        ],
        out_specs=pl.BlockSpec((B, DIM), full2),
        out_shape=jax.ShapeDtypeStruct((B, DIM), jnp.float32),
        scratch_shapes=[
            pltpu.VMEM((B, DIM), jnp.float32),
        ],
        compiler_params=pltpu.CompilerParams(
            dimension_semantics=("arbitrary",)),
    )


def kernel(x, edge_index, edge_attr, u, batch, W1, b1, W2, b2):
    N, DIM = x.shape
    E = edge_attr.shape[0]
    B = u.shape[0]

    n_eblk = 25
    eb = E // n_eblk
    n_nblk = 10
    nb = N // n_nblk

    combo = _make_sc_prep(E, N)(edge_index, batch)
    xsum, cnt = _make_tc_nodeagg(N, B, DIM, n_nblk, nb)(
        batch.reshape(n_nblk, 1, nb), x)

    out = _make_tc_edge(E, B, DIM, n_eblk, eb)(
        combo.reshape(n_eblk, 1, eb), edge_attr,
        xsum, cnt, u,
        W1, b1.reshape(1, DIM), W2, b2.reshape(1, DIM))
    return out

# --- scband reference (transcript-rebuilt; emitter-appended) ---
"""Pipeline reference for scband-megnet-global-model-53970559042218 (READ-ONLY COPY).

The authoritative reference and input builder live on the scoring server;
editing this copy changes nothing except your own understanding.
"""

import jax, jax.numpy as jnp
import numpy as np

N = 10000
E = 160000
B = 64
DIM = 256


def _scatter_mean(src, index, num_segments):
    s = jax.ops.segment_sum(src, index, num_segments=num_segments)
    c = jax.ops.segment_sum(jnp.ones((src.shape[0],), dtype=src.dtype), index, num_segments=num_segments)
    return s / jnp.clip(c, 1.0)[:, None]


def setup_inputs(seed: int = 0):
    key = jax.random.key(seed)
    ks = jax.random.split(key, 8)
    x = jax.random.normal(ks[0], (N, DIM), dtype=jnp.float32)
    edge_index = jax.random.randint(ks[1], (2, E), 0, N, dtype=jnp.int32)
    edge_attr = jax.random.normal(ks[2], (E, DIM), dtype=jnp.float32)
    u = jax.random.normal(ks[3], (B, DIM), dtype=jnp.float32)
    batch = jnp.sort(jax.random.randint(ks[4], (N,), 0, B, dtype=jnp.int32))
    W1 = jax.random.normal(ks[5], (3 * DIM, DIM), dtype=jnp.float32) * 0.02
    b1 = jnp.zeros((DIM,), dtype=jnp.float32)
    W2 = jax.random.normal(ks[6], (DIM, DIM), dtype=jnp.float32) * 0.02
    b2 = jnp.zeros((DIM,), dtype=jnp.float32)
    return {"x": x, "edge_index": edge_index, "edge_attr": edge_attr, "u": u, "batch": batch, "W1": W1, "b1": b1, "W2": W2, "b2": b2}


def reference(x, edge_index, edge_attr, u, batch, W1, b1, W2, b2):
    # u_e = scatter_mean(edge_attr, edge_index[0], dim=0)  -> per-node mean of incident edge feats
    u_e = _scatter_mean(edge_attr, edge_index[0], x.shape[0])
    # u_e = scatter_mean(u_e, batch, dim=0)                -> per-graph mean of those node-level means
    u_e = _scatter_mean(u_e, batch, u.shape[0])
    # u_v = scatter_mean(x, batch, dim=0)                  -> per-graph mean of node feats
    u_v = _scatter_mean(x, batch, u.shape[0])
    comb = jnp.concatenate([u_e, u_v, u], axis=1)
    h = jax.nn.relu(comb @ W1 + b1)
    out = h @ W2 + b2
    return out

if __name__ == "__main__":
    import jax
    _d = setup_inputs()
    print(jax.jit(kernel)(*tuple(_d.values())))

</pallas_src>

<mosaic_0001>
#map = affine_map<(d0, d1) -> (0, 0)>
#map1 = affine_map<(d0, d1) -> (0)>
module attributes {stable_mosaic.version = 14 : i64} {
  func.func @sc_prep(%arg0: i32, %arg1: i32, %arg2: memref<2x160000xi32, #tpu.memory_space<hbm>>, %arg3: memref<10000xi32, #tpu.memory_space<hbm>>, %arg4: memref<160000xf32, #tpu.memory_space<hbm>>, %arg5: memref<10240xi32, #tpu.memory_space<vmem>>, %arg6: memref<5248xi32, #tpu.memory_space<vmem>>, %arg7: memref<10240xf32, #tpu.memory_space<vmem>>, %arg8: memref<16x640xf32, #tpu.memory_space<vmem>>, %arg9: memref<640xf32, #tpu.memory_space<vmem>>, %arg10: memref<10240xf32, #tpu.memory_space<vmem>>, %arg11: memref<10240xi32, #tpu.memory_space<vmem>>, %arg12: memref<5248xf32, #tpu.memory_space<vmem>>, %arg13: memref<16x10240xf32, #tpu.memory_space<vmem_shared>>, %arg14: memref<10240xf32, #tpu.memory_space<vmem_shared>>, %arg15: memref<!tpu.dma_semaphore, #tpu.memory_space<semaphore_mem>>, %arg16: memref<!tpu.dma_semaphore, #tpu.memory_space<semaphore_mem>>) attributes {dimension_semantics = [#tpu.dimension_semantics<core_parallel>, #tpu.dimension_semantics<subcore_parallel>], iteration_bounds = array<i64: 2, 16>, scalar_prefetch = 0 : i64, scratch_operands = 12 : i64, tpu.core_type = #tpu.core_type<sc_vector_subcore>, window_params = [{transform_indices = #map}, {transform_indices = #map1}, {transform_indices = #map1}]} {
    %mul3A = arith.constant 16 : i32
    %mul3A_0 = arith.muli %arg0, %mul3A : i32
    %add3A = arith.addi %mul3A_0, %arg1 : i32
    %dma_start3A = arith.constant 0 : i32
    %dma_start3A_1 = tpu.memref_slice %arg11[%dma_start3A] : memref<10240xi32, #tpu.memory_space<vmem>> -> memref<10000xi32, #tpu.memory_space<vmem>>
    %dma_start3A_2 = arith.constant 0 : i32
    %dma_start3A_3 = tpu.memref_slice %arg11[%dma_start3A_2] : memref<10240xi32, #tpu.memory_space<vmem>> -> memref<10000xi32, #tpu.memory_space<vmem>>
    tpu.enqueue_dma source(%arg3 : memref<10000xi32, #tpu.memory_space<hbm>>) target(%dma_start3A_3 : memref<10000xi32, #tpu.memory_space<vmem>>) target_semaphore(%arg15 : memref<!tpu.dma_semaphore, #tpu.memory_space<semaphore_mem>>)
    %mul3A_4 = arith.constant 4992 : i32
    %mul3A_5 = arith.muli %add3A, %mul3A_4 : i32
    %dma_start3A_6 = arith.constant 0 : i32
    %dma_start3A_7 = arith.constant 0 : i32
    %dma_start3A_8 = tpu.memref_slice %arg6[%dma_start3A_7] : memref<5248xi32, #tpu.memory_space<vmem>> -> memref<4992xi32, #tpu.memory_space<vmem>>
    %dma_start3A_9 = arith.constant 0 : i32
    %dma_start3A_10 = tpu.memref_slice %arg2[%dma_start3A_6, %dma_start3A_9] : memref<2x160000xi32, #tpu.memory_space<hbm>> -> memref<1x160000xi32, #tpu.memory_space<hbm>>
    %dma_start3A_11 = tpu.memref_squeeze %dma_start3A_10 : memref<1x160000xi32, #tpu.memory_space<hbm>> -> memref<160000xi32, #tpu.memory_space<hbm>>
    %dma_start3A_12 = tpu.memref_slice %dma_start3A_11[%mul3A_5] : memref<160000xi32, #tpu.memory_space<hbm>> -> memref<4992xi32, #tpu.memory_space<hbm>>
    %dma_start3A_13 = arith.constant 0 : i32
    %dma_start3A_14 = tpu.memref_slice %arg6[%dma_start3A_13] : memref<5248xi32, #tpu.memory_space<vmem>> -> memref<4992xi32, #tpu.memory_space<vmem>>
    %dma_start3A_15 = arith.constant 0 : i32
    %dma_start3A_16 = tpu.memref_slice %arg2[%dma_start3A_6, %dma_start3A_15] : memref<2x160000xi32, #tpu.memory_space<hbm>> -> memref<1x160000xi32, #tpu.memory_space<hbm>>
    %dma_start3A_17 = tpu.memref_squeeze %dma_start3A_16 : memref<1x160000xi32, #tpu.memory_space<hbm>> -> memref<160000xi32, #tpu.memory_space<hbm>>
    %dma_start3A_18 = tpu.memref_slice %dma_start3A_17[%mul3A_5] : memref<160000xi32, #tpu.memory_space<hbm>> -> memref<4992xi32, #tpu.memory_space<hbm>>
    tpu.enqueue_dma source(%dma_start3A_18 : memref<4992xi32, #tpu.memory_space<hbm>>) target(%dma_start3A_14 : memref<4992xi32, #tpu.memory_space<vmem>>) target_semaphore(%arg16 : memref<!tpu.dma_semaphore, #tpu.memory_space<semaphore_mem>>)
    %parallel_loop3A = arith.constant 0 : i32
    %parallel_loop3A_19 = arith.constant 640 : i32
    %parallel_loop3A_20 = arith.constant 1 : i32
    scf.for %parallel_loop3A_73 = %parallel_loop3A to %parallel_loop3A_19 step %parallel_loop3A_20  : i32 {
      %parallel_loop3A_74 = arith.constant 0.000000e+00 : f32
      %parallel_loop3A_75 = vector.broadcast %parallel_loop3A_74 : f32 to vector<16xf32>
      %parallel_loop3A_76 = arith.constant 16 : i32
      %parallel_loop3A_77 = arith.muli %parallel_loop3A_73, %parallel_loop3A_76 : i32
      %parallel_loop3A_78 = arith.index_cast %parallel_loop3A_77 : i32 to index
      %parallel_loop3A_79 = tpu.vector_load %arg7[%parallel_loop3A_78] {strides = array<i32>} : memref<10240xf32, #tpu.memory_space<vmem>>, vector<16xf32>,
      tpu.vector_store %arg7[%parallel_loop3A_78], %parallel_loop3A_75 {strides = array<i32>} : memref<10240xf32, #tpu.memory_space<vmem>>, vector<16xf32>,
    } {sc.loop_unroll_factor = 1 : i64, sc.parallel_access}
    %mul3A_21 = arith.constant 9984 : i32
    %mul3A_22 = arith.muli %arg1, %mul3A_21 : i32
    %run_scoped3A = arith.constant 0 : i32
    "tpu.region"() ({
      %run_scoped3A_73 = tpu.sem_alloc : memref<!tpu.dma_semaphore, #tpu.memory_space<semaphore_mem>>
      %dma_start3A_74 = arith.constant 0 : i32
      %dma_start3A_75 = tpu.memref_slice %arg5[%dma_start3A_74] : memref<10240xi32, #tpu.memory_space<vmem>> -> memref<9984xi32, #tpu.memory_space<vmem>>
      %dma_start3A_76 = arith.constant 0 : i32
      %dma_start3A_77 = tpu.memref_slice %arg2[%run_scoped3A, %dma_start3A_76] : memref<2x160000xi32, #tpu.memory_space<hbm>> -> memref<1x160000xi32, #tpu.memory_space<hbm>>
      %dma_start3A_78 = tpu.memref_squeeze %dma_start3A_77 : memref<1x160000xi32, #tpu.memory_space<hbm>> -> memref<160000xi32, #tpu.memory_space<hbm>>
      %dma_start3A_79 = tpu.memref_slice %dma_start3A_78[%mul3A_22] : memref<160000xi32, #tpu.memory_space<hbm>> -> memref<9984xi32, #tpu.memory_space<hbm>>
      %dma_start3A_80 = arith.constant 0 : i32
      %dma_start3A_81 = tpu.memref_slice %arg5[%dma_start3A_80] : memref<10240xi32, #tpu.memory_space<vmem>> -> memref<9984xi32, #tpu.memory_space<vmem>>
      %dma_start3A_82 = arith.constant 0 : i32
      %dma_start3A_83 = tpu.memref_slice %arg2[%run_scoped3A, %dma_start3A_82] : memref<2x160000xi32, #tpu.memory_space<hbm>> -> memref<1x160000xi32, #tpu.memory_space<hbm>>
      %dma_start3A_84 = tpu.memref_squeeze %dma_start3A_83 : memref<1x160000xi32, #tpu.memory_space<hbm>> -> memref<160000xi32, #tpu.memory_space<hbm>>
      %dma_start3A_85 = tpu.memref_slice %dma_start3A_84[%mul3A_22] : memref<160000xi32, #tpu.memory_space<hbm>> -> memref<9984xi32, #tpu.memory_space<hbm>>
      tpu.enqueue_dma source(%dma_start3A_85 : memref<9984xi32, #tpu.memory_space<hbm>>) target(%dma_start3A_81 : memref<9984xi32, #tpu.memory_space<vmem>>) target_semaphore(%run_scoped3A_73 : memref<!tpu.dma_semaphore, #tpu.memory_space<semaphore_mem>>)
      %dma_wait3A_86 = arith.constant 0 : i32
      %dma_wait3A_87 = tpu.memref_slice %arg5[%dma_wait3A_86] : memref<10240xi32, #tpu.memory_space<vmem>> -> memref<9984xi32, #tpu.memory_space<vmem>>
      %dma_wait3A_88 = arith.constant 0 : i32
      %dma_wait3A_89 = tpu.memref_slice %arg2[%run_scoped3A, %dma_wait3A_88] : memref<2x160000xi32, #tpu.memory_space<hbm>> -> memref<1x160000xi32, #tpu.memory_space<hbm>>
      %dma_wait3A_90 = tpu.memref_squeeze %dma_wait3A_89 : memref<1x160000xi32, #tpu.memory_space<hbm>> -> memref<160000xi32, #tpu.memory_space<hbm>>
      %dma_wait3A_91 = tpu.memref_slice %dma_wait3A_90[%mul3A_22] : memref<160000xi32, #tpu.memory_space<hbm>> -> memref<9984xi32, #tpu.memory_space<hbm>>
      %dma_wait3A_92 = arith.constant 0 : i32
      %dma_wait3A_93 = tpu.memref_slice %arg5[%dma_wait3A_92] : memref<10240xi32, #tpu.memory_space<vmem>> -> memref<9984xi32, #tpu.memory_space<vmem>>
      %dma_wait3A_94 = arith.constant 0 : i32
      %dma_wait3A_95 = tpu.memref_slice %arg2[%run_scoped3A, %dma_wait3A_94] : memref<2x160000xi32, #tpu.memory_space<hbm>> -> memref<1x160000xi32, #tpu.memory_space<hbm>>
      %dma_wait3A_96 = tpu.memref_squeeze %dma_wait3A_95 : memref<1x160000xi32, #tpu.memory_space<hbm>> -> memref<160000xi32, #tpu.memory_space<hbm>>
      %dma_wait3A_97 = tpu.memref_slice %dma_wait3A_96[%mul3A_22] : memref<160000xi32, #tpu.memory_space<hbm>> -> memref<9984xi32, #tpu.memory_space<hbm>>
      tpu.wait_dma2 semaphore(%run_scoped3A_73 : memref<!tpu.dma_semaphore, #tpu.memory_space<semaphore_mem>>) src(%dma_wait3A_97 : memref<9984xi32, #tpu.memory_space<hbm>>) dst(%dma_wait3A_93 : memref<9984xi32, #tpu.memory_space<vmem>>)
      tpu.yield
    }) : () -> ()
    %run_scoped3A_23 = arith.constant 0 : i32
    "tpu.region"() ({
      %run_scoped3A_73 = tpu.sem_alloc : memref<!tpu.dma_semaphore, #tpu.memory_space<semaphore_mem>>
      %dma_start3A_74 = arith.constant 9984 : i32
      %dma_start3A_75 = tpu.memref_slice %arg5[%dma_start3A_74] : memref<10240xi32, #tpu.memory_space<vmem>> -> memref<256xi32, #tpu.memory_space<vmem>>
      %dma_start3A_76 = arith.constant 0 : i32
      %dma_start3A_77 = tpu.memref_slice %arg2[%run_scoped3A_23, %dma_start3A_76] : memref<2x160000xi32, #tpu.memory_space<hbm>> -> memref<1x160000xi32, #tpu.memory_space<hbm>>
      %dma_start3A_78 = tpu.memref_squeeze %dma_start3A_77 : memref<1x160000xi32, #tpu.memory_space<hbm>> -> memref<160000xi32, #tpu.memory_space<hbm>>
      %dma_start3A_79 = arith.constant 159744 : i32
      %dma_start3A_80 = tpu.memref_slice %dma_start3A_78[%dma_start3A_79] : memref<160000xi32, #tpu.memory_space<hbm>> -> memref<256xi32, #tpu.memory_space<hbm>>
      %dma_start3A_81 = arith.constant 9984 : i32
      %dma_start3A_82 = tpu.memref_slice %arg5[%dma_start3A_81] : memref<10240xi32, #tpu.memory_space<vmem>> -> memref<256xi32, #tpu.memory_space<vmem>>
      %dma_start3A_83 = arith.constant 0 : i32
      %dma_start3A_84 = tpu.memref_slice %arg2[%run_scoped3A_23, %dma_start3A_83] : memref<2x160000xi32, #tpu.memory_space<hbm>> -> memref<1x160000xi32, #tpu.memory_space<hbm>>
      %dma_start3A_85 = tpu.memref_squeeze %dma_start3A_84 : memref<1x160000xi32, #tpu.memory_space<hbm>> -> memref<160000xi32, #tpu.memory_space<hbm>>
      %dma_start3A_86 = arith.constant 159744 : i32
      %dma_start3A_87 = tpu.memref_slice %dma_start3A_85[%dma_start3A_86] : memref<160000xi32, #tpu.memory_space<hbm>> -> memref<256xi32, #tpu.memory_space<hbm>>
      tpu.enqueue_dma source(%dma_start3A_87 : memref<256xi32, #tpu.memory_space<hbm>>) target(%dma_start3A_82 : memref<256xi32, #tpu.memory_space<vmem>>) target_semaphore(%run_scoped3A_73 : memref<!tpu.dma_semaphore, #tpu.memory_space<semaphore_mem>>)
      %dma_wait3A_88 = arith.constant 9984 : i32
      %dma_wait3A_89 = tpu.memref_slice %arg5[%dma_wait3A_88] : memref<10240xi32, #tpu.memory_space<vmem>> -> memref<256xi32, #tpu.memory_space<vmem>>
      %dma_wait3A_90 = arith.constant 0 : i32
      %dma_wait3A_91 = tpu.memref_slice %arg2[%run_scoped3A_23, %dma_wait3A_90] : memref<2x160000xi32, #tpu.memory_space<hbm>> -> memref<1x160000xi32, #tpu.memory_space<hbm>>
      %dma_wait3A_92 = tpu.memref_squeeze %dma_wait3A_91 : memref<1x160000xi32, #tpu.memory_space<hbm>> -> memref<160000xi32, #tpu.memory_space<hbm>>
      %dma_wait3A_93 = arith.constant 159744 : i32
      %dma_wait3A_94 = tpu.memref_slice %dma_wait3A_92[%dma_wait3A_93] : memref<160000xi32, #tpu.memory_space<hbm>> -> memref<256xi32, #tpu.memory_space<hbm>>
      %dma_wait3A_95 = arith.constant 9984 : i32
      %dma_wait3A_96 = tpu.memref_slice %arg5[%dma_wait3A_95] : memref<10240xi32, #tpu.memory_space<vmem>> -> memref<256xi32, #tpu.memory_space<vmem>>
      %dma_wait3A_97 = arith.constant 0 : i32
      %dma_wait3A_98 = tpu.memref_slice %arg2[%run_scoped3A_23, %dma_wait3A_97] : memref<2x160000xi32, #tpu.memory_space<hbm>> -> memref<1x160000xi32, #tpu.memory_space<hbm>>
      %dma_wait3A_99 = tpu.memref_squeeze %dma_wait3A_98 : memref<1x160000xi32, #tpu.memory_space<hbm>> -> memref<160000xi32, #tpu.memory_space<hbm>>
      %dma_wait3A_100 = arith.constant 159744 : i32
      %dma_wait3A_101 = tpu.memref_slice %dma_wait3A_99[%dma_wait3A_100] : memref<160000xi32, #tpu.memory_space<hbm>> -> memref<256xi32, #tpu.memory_space<hbm>>
      tpu.wait_dma2 semaphore(%run_scoped3A_73 : memref<!tpu.dma_semaphore, #tpu.memory_space<semaphore_mem>>) src(%dma_wait3A_101 : memref<256xi32, #tpu.memory_space<hbm>>) dst(%dma_wait3A_96 : memref<256xi32, #tpu.memory_space<vmem>>)
      tpu.yield
    }) : () -> ()
    %broadcast_in_dim3A = arith.constant 1.000000e+00 : f32
    %broadcast_in_dim3A_24 = vector.broadcast %broadcast_in_dim3A : f32 to vector<16xf32>
    %scan3A = arith.constant 0 : i32
    %scan3A_25 = arith.constant 0 : i32
    %scan3A_26 = arith.constant 156 : i32
    %scan3A_27 = arith.addi %scan3A_25, %scan3A_26 : i32
    %scan3A_28 = arith.constant 1 : i32
    %scan3A_29 = scf.for %scan3A_73 = %scan3A_25 to %scan3A_27 step %scan3A_28 iter_args(%scan3A_74 = %scan3A) -> (i32)  : i32 {
      %mul3A_75 = arith.constant 64 : i32
      %mul3A_76 = arith.muli %scan3A_73, %mul3A_75 : i32
      %add3A_77 = arith.constant 0 : i32
      %add3A_78 = arith.addi %mul3A_76, %add3A_77 : i32
      %get3A_79 = arith.index_cast %add3A_78 : i32 to index
      %get3A_80 = tpu.vector_load %arg5[%get3A_79] {strides = array<i32>} : memref<10240xi32, #tpu.memory_space<vmem>>, vector<16xi32>,
      tpu.vector_store_idx %arg7[%get3A_80], %broadcast_in_dim3A_24 {add = true} : memref<10240xf32, #tpu.memory_space<vmem>>[vector<16xi32>], vector<16xf32>,
      %add3A_81 = arith.constant 16 : i32
      %add3A_82 = arith.addi %mul3A_76, %add3A_81 : i32
      %get3A_83 = arith.index_cast %add3A_82 : i32 to index
      %get3A_84 = tpu.vector_load %arg5[%get3A_83] {strides = array<i32>} : memref<10240xi32, #tpu.memory_space<vmem>>, vector<16xi32>,
      tpu.vector_store_idx %arg7[%get3A_84], %broadcast_in_dim3A_24 {add = true} : memref<10240xf32, #tpu.memory_space<vmem>>[vector<16xi32>], vector<16xf32>,
      %add3A_85 = arith.constant 32 : i32
      %add3A_86 = arith.addi %mul3A_76, %add3A_85 : i32
      %get3A_87 = arith.index_cast %add3A_86 : i32 to index
      %get3A_88 = tpu.vector_load %arg5[%get3A_87] {strides = array<i32>} : memref<10240xi32, #tpu.memory_space<vmem>>, vector<16xi32>,
      tpu.vector_store_idx %arg7[%get3A_88], %broadcast_in_dim3A_24 {add = true} : memref<10240xf32, #tpu.memory_space<vmem>>[vector<16xi32>], vector<16xf32>,
      %add3A_89 = arith.constant 48 : i32
      %add3A_90 = arith.addi %mul3A_76, %add3A_89 : i32
      %get3A_91 = arith.index_cast %add3A_90 : i32 to index
      %get3A_92 = tpu.vector_load %arg5[%get3A_91] {strides = array<i32>} : memref<10240xi32, #tpu.memory_space<vmem>>, vector<16xi32>,
      tpu.vector_store_idx %arg7[%get3A_92], %broadcast_in_dim3A_24 {add = true} : memref<10240xf32, #tpu.memory_space<vmem>>[vector<16xi32>], vector<16xf32>,
      %scan3A_93 = arith.constant 0 : i32
      scf.yield %scan3A_93 : i32
    }
    %scan3A_30 = arith.constant 156 : i32
    %mul3A_31 = arith.constant 16 : i32
    %mul3A_32 = arith.muli %arg1, %mul3A_31 : i32
    %add3A_33 = arith.constant 9984 : i32
    %add3A_34 = arith.addi %add3A_33, %mul3A_32 : i32
    %get3A = arith.index_cast %add3A_34 : i32 to index
    %get3A_35 = tpu.vector_load %arg5[%get3A] {strides = array<i32>} : memref<10240xi32, #tpu.memory_space<vmem>>, vector<16xi32>,
    tpu.vector_store_idx %arg7[%get3A_35], %broadcast_in_dim3A_24 {add = true} : memref<10240xf32, #tpu.memory_space<vmem>>[vector<16xi32>], vector<16xf32>,
    "tpu.region"() ({
      %run_scoped3A_73 = tpu.sem_alloc : memref<!tpu.dma_semaphore, #tpu.memory_space<semaphore_mem>>
      %dma_start3A_74 = arith.constant 0 : i32
      %dma_start3A_75 = tpu.memref_slice %arg13[%arg1, %dma_start3A_74] : memref<16x10240xf32, #tpu.memory_space<vmem_shared>> -> memref<1x10240xf32, #tpu.memory_space<vmem_shared>>
      %dma_start3A_76 = tpu.memref_squeeze %dma_start3A_75 : memref<1x10240xf32, #tpu.memory_space<vmem_shared>> -> memref<10240xf32, #tpu.memory_space<vmem_shared>>
      %dma_start3A_77 = arith.constant 0 : i32
      %dma_start3A_78 = tpu.memref_slice %arg13[%arg1, %dma_start3A_77] : memref<16x10240xf32, #tpu.memory_space<vmem_shared>> -> memref<1x10240xf32, #tpu.memory_space<vmem_shared>>
      %dma_start3A_79 = tpu.memref_squeeze %dma_start3A_78 : memref<1x10240xf32, #tpu.memory_space<vmem_shared>> -> memref<10240xf32, #tpu.memory_space<vmem_shared>>
      tpu.enqueue_dma source(%arg7 : memref<10240xf32, #tpu.memory_space<vmem>>) target(%dma_start3A_79 : memref<10240xf32, #tpu.memory_space<vmem_shared>>) target_semaphore(%run_scoped3A_73 : memref<!tpu.dma_semaphore, #tpu.memory_space<semaphore_mem>>)
      %dma_wait3A_80 = arith.constant 0 : i32
      %dma_wait3A_81 = tpu.memref_slice %arg13[%arg1, %dma_wait3A_80] : memref<16x10240xf32, #tpu.memory_space<vmem_shared>> -> memref<1x10240xf32, #tpu.memory_space<vmem_shared>>
      %dma_wait3A_82 = tpu.memref_squeeze %dma_wait3A_81 : memref<1x10240xf32, #tpu.memory_space<vmem_shared>> -> memref<10240xf32, #tpu.memory_space<vmem_shared>>
      %dma_wait3A_83 = arith.constant 0 : i32
      %dma_wait3A_84 = tpu.memref_slice %arg13[%arg1, %dma_wait3A_83] : memref<16x10240xf32, #tpu.memory_space<vmem_shared>> -> memref<1x10240xf32, #tpu.memory_space<vmem_shared>>
      %dma_wait3A_85 = tpu.memref_squeeze %dma_wait3A_84 : memref<1x10240xf32, #tpu.memory_space<vmem_shared>> -> memref<10240xf32, #tpu.memory_space<vmem_shared>>
      tpu.wait_dma2 semaphore(%run_scoped3A_73 : memref<!tpu.dma_semaphore, #tpu.memory_space<semaphore_mem>>) src(%arg7 : memref<10240xf32, #tpu.memory_space<vmem>>) dst(%dma_wait3A_85 : memref<10240xf32, #tpu.memory_space<vmem_shared>>)
      tpu.yield
    }) : () -> ()
    %barrier3A = arith.constant 0 : index
    tpu.barrier barrier_id(%barrier3A)
    %mul3A_36 = arith.constant 640 : i32
    %mul3A_37 = arith.muli %arg1, %mul3A_36 : i32
    "tpu.region"() ({
      %run_scoped3A_73 = tpu.sem_alloc : memref<!tpu.dma_semaphore, #tpu.memory_space<semaphore_mem>>
      %dma_start3A_74 = arith.constant 0 : i32
      %dma_start3A_75 = tpu.memref_slice %arg13[%dma_start3A_74, %mul3A_37] : memref<16x10240xf32, #tpu.memory_space<vmem_shared>> -> memref<16x640xf32, #tpu.memory_space<vmem_shared>>
      %dma_start3A_76 = arith.constant 0 : i32
      %dma_start3A_77 = tpu.memref_slice %arg13[%dma_start3A_76, %mul3A_37] : memref<16x10240xf32, #tpu.memory_space<vmem_shared>> -> memref<16x640xf32, #tpu.memory_space<vmem_shared>>
      tpu.enqueue_dma source(%dma_start3A_77 : memref<16x640xf32, #tpu.memory_space<vmem_shared>>) target(%arg8 : memref<16x640xf32, #tpu.memory_space<vmem>>) target_semaphore(%run_scoped3A_73 : memref<!tpu.dma_semaphore, #tpu.memory_space<semaphore_mem>>)
      %dma_wait3A_78 = arith.constant 0 : i32
      %dma_wait3A_79 = tpu.memref_slice %arg13[%dma_wait3A_78, %mul3A_37] : memref<16x10240xf32, #tpu.memory_space<vmem_shared>> -> memref<16x640xf32, #tpu.memory_space<vmem_shared>>
      %dma_wait3A_80 = arith.constant 0 : i32
      %dma_wait3A_81 = tpu.memref_slice %arg13[%dma_wait3A_80, %mul3A_37] : memref<16x10240xf32, #tpu.memory_space<vmem_shared>> -> memref<16x640xf32, #tpu.memory_space<vmem_shared>>
      tpu.wait_dma2 semaphore(%run_scoped3A_73 : memref<!tpu.dma_semaphore, #tpu.memory_space<semaphore_mem>>) src(%dma_wait3A_81 : memref<16x640xf32, #tpu.memory_space<vmem_shared>>) dst(%arg8 : memref<16x640xf32, #tpu.memory_space<vmem>>)
      tpu.yield
    }) : () -> ()
    %dma_wait3A = arith.constant 0 : i32
    %dma_wait3A_38 = tpu.memref_slice %arg11[%dma_wait3A] : memref<10240xi32, #tpu.memory_space<vmem>> -> memref<10000xi32, #tpu.memory_space<vmem>>
    %dma_wait3A_39 = arith.constant 0 : i32
    %dma_wait3A_40 = tpu.memref_slice %arg11[%dma_wait3A_39] : memref<10240xi32, #tpu.memory_space<vmem>> -> memref<10000xi32, #tpu.memory_space<vmem>>
    tpu.wait_dma2 semaphore(%arg15 : memref<!tpu.dma_semaphore, #tpu.memory_space<semaphore_mem>>) src(%arg3 : memref<10000xi32, #tpu.memory_space<hbm>>) dst(%dma_wait3A_40 : memref<10000xi32, #tpu.memory_space<vmem>>)
    %parallel_loop3A_41 = arith.constant 0 : i32
    %parallel_loop3A_42 = arith.constant 40 : i32
    %parallel_loop3A_43 = arith.constant 1 : i32
    scf.for %parallel_loop3A_73 = %parallel_loop3A_41 to %parallel_loop3A_42 step %parallel_loop3A_43  : i32 {
      %parallel_loop3A_74 = arith.constant 0.000000e+00 : f32
      %parallel_loop3A_75 = vector.broadcast %parallel_loop3A_74 : f32 to vector<16xf32>
      %parallel_loop3A_76 = arith.constant 16 : i32
      %parallel_loop3A_77 = arith.muli %parallel_loop3A_73, %parallel_loop3A_76 : i32
      %parallel_loop3A_78 = arith.constant 0 : i32
      %parallel_loop3A_79 = arith.index_cast %parallel_loop3A_78 : i32 to index
      %parallel_loop3A_80 = arith.index_cast %parallel_loop3A_77 : i32 to index
      %parallel_loop3A_81 = tpu.vector_load %arg8[%parallel_loop3A_79, %parallel_loop3A_80] {strides = array<i32>} : memref<16x640xf32, #tpu.memory_space<vmem>>, vector<16xf32>,
      %parallel_loop3A_82 = arith.addf %parallel_loop3A_75, %parallel_loop3A_81 : vector<16xf32>
      %parallel_loop3A_83 = arith.constant 16 : i32
      %parallel_loop3A_84 = arith.muli %parallel_loop3A_73, %parallel_loop3A_83 : i32
      %parallel_loop3A_85 = arith.constant 1 : i32
      %parallel_loop3A_86 = arith.index_cast %parallel_loop3A_85 : i32 to index
      %parallel_loop3A_87 = arith.index_cast %parallel_loop3A_84 : i32 to index
      %parallel_loop3A_88 = tpu.vector_load %arg8[%parallel_loop3A_86, %parallel_loop3A_87] {strides = array<i32>} : memref<16x640xf32, #tpu.memory_space<vmem>>, vector<16xf32>,
      %parallel_loop3A_89 = arith.addf %parallel_loop3A_82, %parallel_loop3A_88 : vector<16xf32>
      %parallel_loop3A_90 = arith.constant 16 : i32
      %parallel_loop3A_91 = arith.muli %parallel_loop3A_73, %parallel_loop3A_90 : i32
      %parallel_loop3A_92 = arith.constant 2 : i32
      %parallel_loop3A_93 = arith.index_cast %parallel_loop3A_92 : i32 to index
      %parallel_loop3A_94 = arith.index_cast %parallel_loop3A_91 : i32 to index
      %parallel_loop3A_95 = tpu.vector_load %arg8[%parallel_loop3A_93, %parallel_loop3A_94] {strides = array<i32>} : memref<16x640xf32, #tpu.memory_space<vmem>>, vector<16xf32>,
      %parallel_loop3A_96 = arith.addf %parallel_loop3A_89, %parallel_loop3A_95 : vector<16xf32>
      %parallel_loop3A_97 = arith.constant 16 : i32
      %parallel_loop3A_98 = arith.muli %parallel_loop3A_73, %parallel_loop3A_97 : i32
      %parallel_loop3A_99 = arith.constant 3 : i32
      %parallel_loop3A_100 = arith.index_cast %parallel_loop3A_99 : i32 to index
      %parallel_loop3A_101 = arith.index_cast %parallel_loop3A_98 : i32 to index
      %parallel_loop3A_102 = tpu.vector_load %arg8[%parallel_loop3A_100, %parallel_loop3A_101] {strides = array<i32>} : memref<16x640xf32, #tpu.memory_space<vmem>>, vector<16xf32>,
      %parallel_loop3A_103 = arith.addf %parallel_loop3A_96, %parallel_loop3A_102 : vector<16xf32>
      %parallel_loop3A_104 = arith.constant 16 : i32
      %parallel_loop3A_105 = arith.muli %parallel_loop3A_73, %parallel_loop3A_104 : i32
      %parallel_loop3A_106 = arith.constant 4 : i32
      %parallel_loop3A_107 = arith.index_cast %parallel_loop3A_106 : i32 to index
      %parallel_loop3A_108 = arith.index_cast %parallel_loop3A_105 : i32 to index
      %parallel_loop3A_109 = tpu.vector_load %arg8[%parallel_loop3A_107, %parallel_loop3A_108] {strides = array<i32>} : memref<16x640xf32, #tpu.memory_space<vmem>>, vector<16xf32>,
      %parallel_loop3A_110 = arith.addf %parallel_loop3A_103, %parallel_loop3A_109 : vector<16xf32>
      %parallel_loop3A_111 = arith.constant 16 : i32
      %parallel_loop3A_112 = arith.muli %parallel_loop3A_73, %parallel_loop3A_111 : i32
      %parallel_loop3A_113 = arith.constant 5 : i32
      %parallel_loop3A_114 = arith.index_cast %parallel_loop3A_113 : i32 to index
      %parallel_loop3A_115 = arith.index_cast %parallel_loop3A_112 : i32 to index
      %parallel_loop3A_116 = tpu.vector_load %arg8[%parallel_loop3A_114, %parallel_loop3A_115] {strides = array<i32>} : memref<16x640xf32, #tpu.memory_space<vmem>>, vector<16xf32>,
      %parallel_loop3A_117 = arith.addf %parallel_loop3A_110, %parallel_loop3A_116 : vector<16xf32>
      %parallel_loop3A_118 = arith.constant 16 : i32
      %parallel_loop3A_119 = arith.muli %parallel_loop3A_73, %parallel_loop3A_118 : i32
      %parallel_loop3A_120 = arith.constant 6 : i32
      %parallel_loop3A_121 = arith.index_cast %parallel_loop3A_120 : i32 to index
      %parallel_loop3A_122 = arith.index_cast %parallel_loop3A_119 : i32 to index
      %parallel_loop3A_123 = tpu.vector_load %arg8[%parallel_loop3A_121, %parallel_loop3A_122] {strides = array<i32>} : memref<16x640xf32, #tpu.memory_space<vmem>>, vector<16xf32>,
      %parallel_loop3A_124 = arith.addf %parallel_loop3A_117, %parallel_loop3A_123 : vector<16xf32>
      %parallel_loop3A_125 = arith.constant 16 : i32
      %parallel_loop3A_126 = arith.muli %parallel_loop3A_73, %parallel_loop3A_125 : i32
      %parallel_loop3A_127 = arith.constant 7 : i32
      %parallel_loop3A_128 = arith.index_cast %parallel_loop3A_127 : i32 to index
      %parallel_loop3A_129 = arith.index_cast %parallel_loop3A_126 : i32 to index
      %parallel_loop3A_130 = tpu.vector_load %arg8[%parallel_loop3A_128, %parallel_loop3A_129] {strides = array<i32>} : memref<16x640xf32, #tpu.memory_space<vmem>>, vector<16xf32>,
      %parallel_loop3A_131 = arith.addf %parallel_loop3A_124, %parallel_loop3A_130 : vector<16xf32>
      %parallel_loop3A_132 = arith.constant 16 : i32
      %parallel_loop3A_133 = arith.muli %parallel_loop3A_73, %parallel_loop3A_132 : i32
      %parallel_loop3A_134 = arith.constant 8 : i32
      %parallel_loop3A_135 = arith.index_cast %parallel_loop3A_134 : i32 to index
      %parallel_loop3A_136 = arith.index_cast %parallel_loop3A_133 : i32 to index
      %parallel_loop3A_137 = tpu.vector_load %arg8[%parallel_loop3A_135, %parallel_loop3A_136] {strides = array<i32>} : memref<16x640xf32, #tpu.memory_space<vmem>>, vector<16xf32>,
      %parallel_loop3A_138 = arith.addf %parallel_loop3A_131, %parallel_loop3A_137 : vector<16xf32>
      %parallel_loop3A_139 = arith.constant 16 : i32
      %parallel_loop3A_140 = arith.muli %parallel_loop3A_73, %parallel_loop3A_139 : i32
      %parallel_loop3A_141 = arith.constant 9 : i32
      %parallel_loop3A_142 = arith.index_cast %parallel_loop3A_141 : i32 to index
      %parallel_loop3A_143 = arith.index_cast %parallel_loop3A_140 : i32 to index
      %parallel_loop3A_144 = tpu.vector_load %arg8[%parallel_loop3A_142, %parallel_loop3A_143] {strides = array<i32>} : memref<16x640xf32, #tpu.memory_space<vmem>>, vector<16xf32>,
      %parallel_loop3A_145 = arith.addf %parallel_loop3A_138, %parallel_loop3A_144 : vector<16xf32>
      %parallel_loop3A_146 = arith.constant 16 : i32
      %parallel_loop3A_147 = arith.muli %parallel_loop3A_73, %parallel_loop3A_146 : i32
      %parallel_loop3A_148 = arith.constant 10 : i32
      %parallel_loop3A_149 = arith.index_cast %parallel_loop3A_148 : i32 to index
      %parallel_loop3A_150 = arith.index_cast %parallel_loop3A_147 : i32 to index
      %parallel_loop3A_151 = tpu.vector_load %arg8[%parallel_loop3A_149, %parallel_loop3A_150] {strides = array<i32>} : memref<16x640xf32, #tpu.memory_space<vmem>>, vector<16xf32>,
      %parallel_loop3A_152 = arith.addf %parallel_loop3A_145, %parallel_loop3A_151 : vector<16xf32>
      %parallel_loop3A_153 = arith.constant 16 : i32
      %parallel_loop3A_154 = arith.muli %parallel_loop3A_73, %parallel_loop3A_153 : i32
      %parallel_loop3A_155 = arith.constant 11 : i32
      %parallel_loop3A_156 = arith.index_cast %parallel_loop3A_155 : i32 to index
      %parallel_loop3A_157 = arith.index_cast %parallel_loop3A_154 : i32 to index
      %parallel_loop3A_158 = tpu.vector_load %arg8[%parallel_loop3A_156, %parallel_loop3A_157] {strides = array<i32>} : memref<16x640xf32, #tpu.memory_space<vmem>>, vector<16xf32>,
      %parallel_loop3A_159 = arith.addf %parallel_loop3A_152, %parallel_loop3A_158 : vector<16xf32>
      %parallel_loop3A_160 = arith.constant 16 : i32
      %parallel_loop3A_161 = arith.muli %parallel_loop3A_73, %parallel_loop3A_160 : i32
      %parallel_loop3A_162 = arith.constant 12 : i32
      %parallel_loop3A_163 = arith.index_cast %parallel_loop3A_162 : i32 to index
      %parallel_loop3A_164 = arith.index_cast %parallel_loop3A_161 : i32 to index
      %parallel_loop3A_165 = tpu.vector_load %arg8[%parallel_loop3A_163, %parallel_loop3A_164] {strides = array<i32>} : memref<16x640xf32, #tpu.memory_space<vmem>>, vector<16xf32>,
      %parallel_loop3A_166 = arith.addf %parallel_loop3A_159, %parallel_loop3A_165 : vector<16xf32>
      %parallel_loop3A_167 = arith.constant 16 : i32
      %parallel_loop3A_168 = arith.muli %parallel_loop3A_73, %parallel_loop3A_167 : i32
      %parallel_loop3A_169 = arith.constant 13 : i32
      %parallel_loop3A_170 = arith.index_cast %parallel_loop3A_169 : i32 to index
      %parallel_loop3A_171 = arith.index_cast %parallel_loop3A_168 : i32 to index
      %parallel_loop3A_172 = tpu.vector_load %arg8[%parallel_loop3A_170, %parallel_loop3A_171] {strides = array<i32>} : memref<16x640xf32, #tpu.memory_space<vmem>>, vector<16xf32>,
      %parallel_loop3A_173 = arith.addf %parallel_loop3A_166, %parallel_loop3A_172 : vector<16xf32>
      %parallel_loop3A_174 = arith.constant 16 : i32
      %parallel_loop3A_175 = arith.muli %parallel_loop3A_73, %parallel_loop3A_174 : i32
      %parallel_loop3A_176 = arith.constant 14 : i32
      %parallel_loop3A_177 = arith.index_cast %parallel_loop3A_176 : i32 to index
      %parallel_loop3A_178 = arith.index_cast %parallel_loop3A_175 : i32 to index
      %parallel_loop3A_179 = tpu.vector_load %arg8[%parallel_loop3A_177, %parallel_loop3A_178] {strides = array<i32>} : memref<16x640xf32, #tpu.memory_space<vmem>>, vector<16xf32>,
      %parallel_loop3A_180 = arith.addf %parallel_loop3A_173, %parallel_loop3A_179 : vector<16xf32>
      %parallel_loop3A_181 = arith.constant 16 : i32
      %parallel_loop3A_182 = arith.muli %parallel_loop3A_73, %parallel_loop3A_181 : i32
      %parallel_loop3A_183 = arith.constant 15 : i32
      %parallel_loop3A_184 = arith.index_cast %parallel_loop3A_183 : i32 to index
      %parallel_loop3A_185 = arith.index_cast %parallel_loop3A_182 : i32 to index
      %parallel_loop3A_186 = tpu.vector_load %arg8[%parallel_loop3A_184, %parallel_loop3A_185] {strides = array<i32>} : memref<16x640xf32, #tpu.memory_space<vmem>>, vector<16xf32>,
      %parallel_loop3A_187 = arith.addf %parallel_loop3A_180, %parallel_loop3A_186 : vector<16xf32>
      %parallel_loop3A_188 = arith.constant 640 : i32
      %parallel_loop3A_189 = arith.muli %arg1, %parallel_loop3A_188 : i32
      %parallel_loop3A_190 = arith.constant 16 : i32
      %parallel_loop3A_191 = arith.muli %parallel_loop3A_73, %parallel_loop3A_190 : i32
      %parallel_loop3A_192 = arith.addi %parallel_loop3A_189, %parallel_loop3A_191 : i32
      %parallel_loop3A_193 = arith.index_cast %parallel_loop3A_192 : i32 to index
      %parallel_loop3A_194 = tpu.vector_load %arg11[%parallel_loop3A_193] {strides = array<i32>} : memref<10240xi32, #tpu.memory_space<vmem>>, vector<16xi32>,
      %parallel_loop3A_195 = arith.sitofp %parallel_loop3A_194 : vector<16xi32> to vector<16xf32>
      %parallel_loop3A_196 = arith.constant 1.000000e+00 : f32
      %parallel_loop3A_197 = vector.broadcast %parallel_loop3A_196 : f32 to vector<16xf32>
      %parallel_loop3A_198 = arith.maximumf %parallel_loop3A_187, %parallel_loop3A_197 : vector<16xf32>
      %parallel_loop3A_199 = arith.constant 5.000000e-01 : f32
      %parallel_loop3A_200 = vector.broadcast %parallel_loop3A_199 : f32 to vector<16xf32>
      %parallel_loop3A_201 = arith.divf %parallel_loop3A_200, %parallel_loop3A_198 : vector<16xf32>
      %parallel_loop3A_202 = arith.addf %parallel_loop3A_195, %parallel_loop3A_201 : vector<16xf32>
      %parallel_loop3A_203 = arith.constant 16 : i32
      %parallel_loop3A_204 = arith.muli %parallel_loop3A_73, %parallel_loop3A_203 : i32
      %parallel_loop3A_205 = arith.index_cast %parallel_loop3A_204 : i32 to index
      %parallel_loop3A_206 = tpu.vector_load %arg9[%parallel_loop3A_205] {strides = array<i32>} : memref<640xf32, #tpu.memory_space<vmem>>, vector<16xf32>,
      tpu.vector_store %arg9[%parallel_loop3A_205], %parallel_loop3A_202 {strides = array<i32>} : memref<640xf32, #tpu.memory_space<vmem>>, vector<16xf32>,
    } {sc.loop_unroll_factor = 1 : i64, sc.parallel_access}
    %mul3A_44 = arith.constant 640 : i32
    %mul3A_45 = arith.muli %arg1, %mul3A_44 : i32
    "tpu.region"() ({
      %run_scoped3A_73 = tpu.sem_alloc : memref<!tpu.dma_semaphore, #tpu.memory_space<semaphore_mem>>
      %dma_start3A_74 = tpu.memref_slice %arg14[%mul3A_45] : memref<10240xf32, #tpu.memory_space<vmem_shared>> -> memref<640xf32, #tpu.memory_space<vmem_shared>>
      %dma_start3A_75 = tpu.memref_slice %arg14[%mul3A_45] : memref<10240xf32, #tpu.memory_space<vmem_shared>> -> memref<640xf32, #tpu.memory_space<vmem_shared>>
      tpu.enqueue_dma source(%arg9 : memref<640xf32, #tpu.memory_space<vmem>>) target(%dma_start3A_75 : memref<640xf32, #tpu.memory_space<vmem_shared>>) target_semaphore(%run_scoped3A_73 : memref<!tpu.dma_semaphore, #tpu.memory_space<semaphore_mem>>)
      %dma_wait3A_76 = tpu.memref_slice %arg14[%mul3A_45] : memref<10240xf32, #tpu.memory_space<vmem_shared>> -> memref<640xf32, #tpu.memory_space<vmem_shared>>
      %dma_wait3A_77 = tpu.memref_slice %arg14[%mul3A_45] : memref<10240xf32, #tpu.memory_space<vmem_shared>> -> memref<640xf32, #tpu.memory_space<vmem_shared>>
      tpu.wait_dma2 semaphore(%run_scoped3A_73 : memref<!tpu.dma_semaphore, #tpu.memory_space<semaphore_mem>>) src(%arg9 : memref<640xf32, #tpu.memory_space<vmem>>) dst(%dma_wait3A_77 : memref<640xf32, #tpu.memory_space<vmem_shared>>)
      tpu.yield
    }) : () -> ()
    %barrier3A_46 = arith.constant 0 : index
    tpu.barrier barrier_id(%barrier3A_46)
    "tpu.region"() ({
      %run_scoped3A_73 = tpu.sem_alloc : memref<!tpu.dma_semaphore, #tpu.memory_space<semaphore_mem>>
      tpu.enqueue_dma source(%arg14 : memref<10240xf32, #tpu.memory_space<vmem_shared>>) target(%arg10 : memref<10240xf32, #tpu.memory_space<vmem>>) target_semaphore(%run_scoped3A_73 : memref<!tpu.dma_semaphore, #tpu.memory_space<semaphore_mem>>)
      tpu.wait_dma2 semaphore(%run_scoped3A_73 : memref<!tpu.dma_semaphore, #tpu.memory_space<semaphore_mem>>) src(%arg14 : memref<10240xf32, #tpu.memory_space<vmem_shared>>) dst(%arg10 : memref<10240xf32, #tpu.memory_space<vmem>>)
      tpu.yield
    }) : () -> ()
    %eq3A = arith.constant 0 : i32
    %eq3A_47 = arith.cmpi eq, %add3A, %eq3A : i32
    %convert_element_type3A = arith.extui %eq3A_47 : i1 to i32
    %cond3A = arith.constant 0 : i32
    %cond3A_48 = arith.constant 0 : i32
    %cond3A_49 = arith.cmpi ne, %convert_element_type3A, %cond3A_48 : i32
    scf.if %cond3A_49 {
      "tpu.region"() ({
        %run_scoped3A_73 = tpu.sem_alloc : memref<!tpu.dma_semaphore, #tpu.memory_space<semaphore_mem>>
        %dma_start3A_74 = arith.constant 4992 : i32
        %dma_start3A_75 = tpu.memref_slice %arg6[%dma_start3A_74] : memref<5248xi32, #tpu.memory_space<vmem>> -> memref<256xi32, #tpu.memory_space<vmem>>
        %dma_start3A_76 = arith.constant 0 : i32
        %dma_start3A_77 = tpu.memref_slice %arg2[%cond3A, %dma_start3A_76] : memref<2x160000xi32, #tpu.memory_space<hbm>> -> memref<1x160000xi32, #tpu.memory_space<hbm>>
        %dma_start3A_78 = tpu.memref_squeeze %dma_start3A_77 : memref<1x160000xi32, #tpu.memory_space<hbm>> -> memref<160000xi32, #tpu.memory_space<hbm>>
        %dma_start3A_79 = arith.constant 159744 : i32
        %dma_start3A_80 = tpu.memref_slice %dma_start3A_78[%dma_start3A_79] : memref<160000xi32, #tpu.memory_space<hbm>> -> memref<256xi32, #tpu.memory_space<hbm>>
        %dma_start3A_81 = arith.constant 4992 : i32
        %dma_start3A_82 = tpu.memref_slice %arg6[%dma_start3A_81] : memref<5248xi32, #tpu.memory_space<vmem>> -> memref<256xi32, #tpu.memory_space<vmem>>
        %dma_start3A_83 = arith.constant 0 : i32
        %dma_start3A_84 = tpu.memref_slice %arg2[%cond3A, %dma_start3A_83] : memref<2x160000xi32, #tpu.memory_space<hbm>> -> memref<1x160000xi32, #tpu.memory_space<hbm>>
        %dma_start3A_85 = tpu.memref_squeeze %dma_start3A_84 : memref<1x160000xi32, #tpu.memory_space<hbm>> -> memref<160000xi32, #tpu.memory_space<hbm>>
        %dma_start3A_86 = arith.constant 159744 : i32
        %dma_start3A_87 = tpu.memref_slice %dma_start3A_85[%dma_start3A_86] : memref<160000xi32, #tpu.memory_space<hbm>> -> memref<256xi32, #tpu.memory_space<hbm>>
        tpu.enqueue_dma source(%dma_start3A_87 : memref<256xi32, #tpu.memory_space<hbm>>) target(%dma_start3A_82 : memref<256xi32, #tpu.memory_space<vmem>>) target_semaphore(%run_scoped3A_73 : memref<!tpu.dma_semaphore, #tpu.memory_space<semaphore_mem>>)
        %dma_wait3A_88 = arith.constant 4992 : i32
        %dma_wait3A_89 = tpu.memref_slice %arg6[%dma_wait3A_88] : memref<5248xi32, #tpu.memory_space<vmem>> -> memref<256xi32, #tpu.memory_space<vmem>>
        %dma_wait3A_90 = arith.constant 0 : i32
        %dma_wait3A_91 = tpu.memref_slice %arg2[%cond3A, %dma_wait3A_90] : memref<2x160000xi32, #tpu.memory_space<hbm>> -> memref<1x160000xi32, #tpu.memory_space<hbm>>
        %dma_wait3A_92 = tpu.memref_squeeze %dma_wait3A_91 : memref<1x160000xi32, #tpu.memory_space<hbm>> -> memref<160000xi32, #tpu.memory_space<hbm>>
        %dma_wait3A_93 = arith.constant 159744 : i32
        %dma_wait3A_94 = tpu.memref_slice %dma_wait3A_92[%dma_wait3A_93] : memref<160000xi32, #tpu.memory_space<hbm>> -> memref<256xi32, #tpu.memory_space<hbm>>
        %dma_wait3A_95 = arith.constant 4992 : i32
        %dma_wait3A_96 = tpu.memref_slice %arg6[%dma_wait3A_95] : memref<5248xi32, #tpu.memory_space<vmem>> -> memref<256xi32, #tpu.memory_space<vmem>>
        %dma_wait3A_97 = arith.constant 0 : i32
        %dma_wait3A_98 = tpu.memref_slice %arg2[%cond3A, %dma_wait3A_97] : memref<2x160000xi32, #tpu.memory_space<hbm>> -> memref<1x160000xi32, #tpu.memory_space<hbm>>
        %dma_wait3A_99 = tpu.memref_squeeze %dma_wait3A_98 : memref<1x160000xi32, #tpu.memory_space<hbm>> -> memref<160000xi32, #tpu.memory_space<hbm>>
        %dma_wait3A_100 = arith.constant 159744 : i32
        %dma_wait3A_101 = tpu.memref_slice %dma_wait3A_99[%dma_wait3A_100] : memref<160000xi32, #tpu.memory_space<hbm>> -> memref<256xi32, #tpu.memory_space<hbm>>
        tpu.wait_dma2 semaphore(%run_scoped3A_73 : memref<!tpu.dma_semaphore, #tpu.memory_space<semaphore_mem>>) src(%dma_wait3A_101 : memref<256xi32, #tpu.memory_space<hbm>>) dst(%dma_wait3A_96 : memref<256xi32, #tpu.memory_space<vmem>>)
        tpu.yield
      }) : () -> ()
    } else {
    }
    %dma_wait3A_50 = arith.constant 0 : i32
    %dma_wait3A_51 = arith.constant 0 : i32
    %dma_wait3A_52 = tpu.memref_slice %arg6[%dma_wait3A_51] : memref<5248xi32, #tpu.memory_space<vmem>> -> memref<4992xi32, #tpu.memory_space<vmem>>
    %dma_wait3A_53 = arith.constant 0 : i32
    %dma_wait3A_54 = tpu.memref_slice %arg2[%dma_wait3A_50, %dma_wait3A_53] : memref<2x160000xi32, #tpu.memory_space<hbm>> -> memref<1x160000xi32, #tpu.memory_space<hbm>>
    %dma_wait3A_55 = tpu.memref_squeeze %dma_wait3A_54 : memref<1x160000xi32, #tpu.memory_space<hbm>> -> memref<160000xi32, #tpu.memory_space<hbm>>
    %dma_wait3A_56 = tpu.memref_slice %dma_wait3A_55[%mul3A_5] : memref<160000xi32, #tpu.memory_space<hbm>> -> memref<4992xi32, #tpu.memory_space<hbm>>
    %dma_wait3A_57 = arith.constant 0 : i32
    %dma_wait3A_58 = tpu.memref_slice %arg6[%dma_wait3A_57] : memref<5248xi32, #tpu.memory_space<vmem>> -> memref<4992xi32, #tpu.memory_space<vmem>>
    %dma_wait3A_59 = arith.constant 0 : i32
    %dma_wait3A_60 = tpu.memref_slice %arg2[%dma_wait3A_50, %dma_wait3A_59] : memref<2x160000xi32, #tpu.memory_space<hbm>> -> memref<1x160000xi32, #tpu.memory_space<hbm>>
    %dma_wait3A_61 = tpu.memref_squeeze %dma_wait3A_60 : memref<1x160000xi32, #tpu.memory_space<hbm>> -> memref<160000xi32, #tpu.memory_space<hbm>>
    %dma_wait3A_62 = tpu.memref_slice %dma_wait3A_61[%mul3A_5] : memref<160000xi32, #tpu.memory_space<hbm>> -> memref<4992xi32, #tpu.memory_space<hbm>>
    tpu.wait_dma2 semaphore(%arg16 : memref<!tpu.dma_semaphore, #tpu.memory_space<semaphore_mem>>) src(%dma_wait3A_62 : memref<4992xi32, #tpu.memory_space<hbm>>) dst(%dma_wait3A_58 : memref<4992xi32, #tpu.memory_space<vmem>>)
    %parallel_loop3A_63 = arith.constant 0 : i32
    %parallel_loop3A_64 = arith.constant 78 : i32
    %parallel_loop3A_65 = arith.constant 1 : i32
    scf.for %parallel_loop3A_73 = %parallel_loop3A_63 to %parallel_loop3A_64 step %parallel_loop3A_65  : i32 {
      %parallel_loop3A_74 = arith.constant 4 : i32
      %parallel_loop3A_75 = arith.muli %parallel_loop3A_73, %parallel_loop3A_74 : i32
      %parallel_loop3A_76 = arith.constant 0 : i32
      %parallel_loop3A_77 = arith.addi %parallel_loop3A_75, %parallel_loop3A_76 : i32
      %parallel_loop3A_78 = arith.constant 16 : i32
      %parallel_loop3A_79 = arith.muli %parallel_loop3A_77, %parallel_loop3A_78 : i32
      %parallel_loop3A_80 = arith.index_cast %parallel_loop3A_79 : i32 to index
      %parallel_loop3A_81 = tpu.vector_load %arg6[%parallel_loop3A_80] {strides = array<i32>} : memref<5248xi32, #tpu.memory_space<vmem>>, vector<16xi32>,
      %parallel_loop3A_82 = tpu.vector_load_idx %arg10[%parallel_loop3A_81] : memref<10240xf32, #tpu.memory_space<vmem>>[vector<16xi32>], vector<16xf32>,
      %parallel_loop3A_83 = arith.constant 16 : i32
      %parallel_loop3A_84 = arith.muli %parallel_loop3A_77, %parallel_loop3A_83 : i32
      %parallel_loop3A_85 = arith.index_cast %parallel_loop3A_84 : i32 to index
      %parallel_loop3A_86 = tpu.vector_load %arg12[%parallel_loop3A_85] {strides = array<i32>} : memref<5248xf32, #tpu.memory_space<vmem>>, vector<16xf32>,
      tpu.vector_store %arg12[%parallel_loop3A_85], %parallel_loop3A_82 {strides = array<i32>} : memref<5248xf32, #tpu.memory_space<vmem>>, vector<16xf32>,
      %parallel_loop3A_87 = arith.constant 4 : i32
      %parallel_loop3A_88 = arith.muli %parallel_loop3A_73, %parallel_loop3A_87 : i32
      %parallel_loop3A_89 = arith.constant 1 : i32
      %parallel_loop3A_90 = arith.addi %parallel_loop3A_88, %parallel_loop3A_89 : i32
      %parallel_loop3A_91 = arith.constant 16 : i32
      %parallel_loop3A_92 = arith.muli %parallel_loop3A_90, %parallel_loop3A_91 : i32
      %parallel_loop3A_93 = arith.index_cast %parallel_loop3A_92 : i32 to index
      %parallel_loop3A_94 = tpu.vector_load %arg6[%parallel_loop3A_93] {strides = array<i32>} : memref<5248xi32, #tpu.memory_space<vmem>>, vector<16xi32>,
      %parallel_loop3A_95 = tpu.vector_load_idx %arg10[%parallel_loop3A_94] : memref<10240xf32, #tpu.memory_space<vmem>>[vector<16xi32>], vector<16xf32>,
      %parallel_loop3A_96 = arith.constant 16 : i32
      %parallel_loop3A_97 = arith.muli %parallel_loop3A_90, %parallel_loop3A_96 : i32
      %parallel_loop3A_98 = arith.index_cast %parallel_loop3A_97 : i32 to index
      %parallel_loop3A_99 = tpu.vector_load %arg12[%parallel_loop3A_98] {strides = array<i32>} : memref<5248xf32, #tpu.memory_space<vmem>>, vector<16xf32>,
      tpu.vector_store %arg12[%parallel_loop3A_98], %parallel_loop3A_95 {strides = array<i32>} : memref<5248xf32, #tpu.memory_space<vmem>>, vector<16xf32>,
      %parallel_loop3A_100 = arith.constant 4 : i32
      %parallel_loop3A_101 = arith.muli %parallel_loop3A_73, %parallel_loop3A_100 : i32
      %parallel_loop3A_102 = arith.constant 2 : i32
      %parallel_loop3A_103 = arith.addi %parallel_loop3A_101, %parallel_loop3A_102 : i32
      %parallel_loop3A_104 = arith.constant 16 : i32
      %parallel_loop3A_105 = arith.muli %parallel_loop3A_103, %parallel_loop3A_104 : i32
      %parallel_loop3A_106 = arith.index_cast %parallel_loop3A_105 : i32 to index
      %parallel_loop3A_107 = tpu.vector_load %arg6[%parallel_loop3A_106] {strides = array<i32>} : memref<5248xi32, #tpu.memory_space<vmem>>, vector<16xi32>,
      %parallel_loop3A_108 = tpu.vector_load_idx %arg10[%parallel_loop3A_107] : memref<10240xf32, #tpu.memory_space<vmem>>[vector<16xi32>], vector<16xf32>,
      %parallel_loop3A_109 = arith.constant 16 : i32
      %parallel_loop3A_110 = arith.muli %parallel_loop3A_103, %parallel_loop3A_109 : i32
      %parallel_loop3A_111 = arith.index_cast %parallel_loop3A_110 : i32 to index
      %parallel_loop3A_112 = tpu.vector_load %arg12[%parallel_loop3A_111] {strides = array<i32>} : memref<5248xf32, #tpu.memory_space<vmem>>, vector<16xf32>,
      tpu.vector_store %arg12[%parallel_loop3A_111], %parallel_loop3A_108 {strides = array<i32>} : memref<5248xf32, #tpu.memory_space<vmem>>, vector<16xf32>,
      %parallel_loop3A_113 = arith.constant 4 : i32
      %parallel_loop3A_114 = arith.muli %parallel_loop3A_73, %parallel_loop3A_113 : i32
      %parallel_loop3A_115 = arith.constant 3 : i32
      %parallel_loop3A_116 = arith.addi %parallel_loop3A_114, %parallel_loop3A_115 : i32
      %parallel_loop3A_117 = arith.constant 16 : i32
      %parallel_loop3A_118 = arith.muli %parallel_loop3A_116, %parallel_loop3A_117 : i32
      %parallel_loop3A_119 = arith.index_cast %parallel_loop3A_118 : i32 to index
      %parallel_loop3A_120 = tpu.vector_load %arg6[%parallel_loop3A_119] {strides = array<i32>} : memref<5248xi32, #tpu.memory_space<vmem>>, vector<16xi32>,
      %parallel_loop3A_121 = tpu.vector_load_idx %arg10[%parallel_loop3A_120] : memref<10240xf32, #tpu.memory_space<vmem>>[vector<16xi32>], vector<16xf32>,
      %parallel_loop3A_122 = arith.constant 16 : i32
      %parallel_loop3A_123 = arith.muli %parallel_loop3A_116, %parallel_loop3A_122 : i32
      %parallel_loop3A_124 = arith.index_cast %parallel_loop3A_123 : i32 to index
      %parallel_loop3A_125 = tpu.vector_load %arg12[%parallel_loop3A_124] {strides = array<i32>} : memref<5248xf32, #tpu.memory_space<vmem>>, vector<16xf32>,
      tpu.vector_store %arg12[%parallel_loop3A_124], %parallel_loop3A_121 {strides = array<i32>} : memref<5248xf32, #tpu.memory_space<vmem>>, vector<16xf32>,
    } {sc.loop_unroll_factor = 4 : i64, sc.parallel_access}
    %mul3A_66 = arith.constant 4992 : i32
    %mul3A_67 = arith.muli %add3A, %mul3A_66 : i32
    "tpu.region"() ({
      %run_scoped3A_73 = tpu.sem_alloc : memref<!tpu.dma_semaphore, #tpu.memory_space<semaphore_mem>>
      %dma_start3A_74 = arith.constant 0 : i32
      %dma_start3A_75 = tpu.memref_slice %arg12[%dma_start3A_74] : memref<5248xf32, #tpu.memory_space<vmem>> -> memref<4992xf32, #tpu.memory_space<vmem>>
      %dma_start3A_76 = tpu.memref_slice %arg4[%mul3A_67] : memref<160000xf32, #tpu.memory_space<hbm>> -> memref<4992xf32, #tpu.memory_space<hbm>>
      %dma_start3A_77 = tpu.memref_slice %arg4[%mul3A_67] : memref<160000xf32, #tpu.memory_space<hbm>> -> memref<4992xf32, #tpu.memory_space<hbm>>
      %dma_start3A_78 = arith.constant 0 : i32
      %dma_start3A_79 = tpu.memref_slice %arg12[%dma_start3A_78] : memref<5248xf32, #tpu.memory_space<vmem>> -> memref<4992xf32, #tpu.memory_space<vmem>>
      tpu.enqueue_dma source(%dma_start3A_79 : memref<4992xf32, #tpu.memory_space<vmem>>) target(%dma_start3A_77 : memref<4992xf32, #tpu.memory_space<hbm>>) target_semaphore(%run_scoped3A_73 : memref<!tpu.dma_semaphore, #tpu.memory_space<semaphore_mem>>)
      %dma_wait3A_80 = arith.constant 0 : i32
      %dma_wait3A_81 = tpu.memref_slice %arg12[%dma_wait3A_80] : memref<5248xf32, #tpu.memory_space<vmem>> -> memref<4992xf32, #tpu.memory_space<vmem>>
      %dma_wait3A_82 = tpu.memref_slice %arg4[%mul3A_67] : memref<160000xf32, #tpu.memory_space<hbm>> -> memref<4992xf32, #tpu.memory_space<hbm>>
      %dma_wait3A_83 = tpu.memref_slice %arg4[%mul3A_67] : memref<160000xf32, #tpu.memory_space<hbm>> -> memref<4992xf32, #tpu.memory_space<hbm>>
      %dma_wait3A_84 = arith.constant 0 : i32
      %dma_wait3A_85 = tpu.memref_slice %arg12[%dma_wait3A_84] : memref<5248xf32, #tpu.memory_space<vmem>> -> memref<4992xf32, #tpu.memory_space<vmem>>
      tpu.wait_dma2 semaphore(%run_scoped3A_73 : memref<!tpu.dma_semaphore, #tpu.memory_space<semaphore_mem>>) src(%dma_wait3A_85 : memref<4992xf32, #tpu.memory_space<vmem>>) dst(%dma_wait3A_83 : memref<4992xf32, #tpu.memory_space<hbm>>)
      tpu.yield
    }) : () -> ()
    %eq3A_68 = arith.constant 0 : i32
    %eq3A_69 = arith.cmpi eq, %add3A, %eq3A_68 : i32
    %convert_element_type3A_70 = arith.extui %eq3A_69 : i1 to i32
    %cond3A_71 = arith.constant 0 : i32
    %cond3A_72 = arith.cmpi ne, %convert_element_type3A_70, %cond3A_71 : i32
    scf.if %cond3A_72 {
      %parallel_loop3A_73 = arith.constant 312 : i32
      %parallel_loop3A_74 = arith.constant 328 : i32
      %parallel_loop3A_75 = arith.constant 1 : i32
      scf.for %parallel_loop3A_76 = %parallel_loop3A_73 to %parallel_loop3A_74 step %parallel_loop3A_75  : i32 {
        %parallel_loop3A_77 = arith.constant 16 : i32
        %parallel_loop3A_78 = arith.muli %parallel_loop3A_76, %parallel_loop3A_77 : i32
        %parallel_loop3A_79 = arith.index_cast %parallel_loop3A_78 : i32 to index
        %parallel_loop3A_80 = tpu.vector_load %arg6[%parallel_loop3A_79] {strides = array<i32>} : memref<5248xi32, #tpu.memory_space<vmem>>, vector<16xi32>,
        %parallel_loop3A_81 = tpu.vector_load_idx %arg10[%parallel_loop3A_80] : memref<10240xf32, #tpu.memory_space<vmem>>[vector<16xi32>], vector<16xf32>,
        %parallel_loop3A_82 = arith.constant 16 : i32
        %parallel_loop3A_83 = arith.muli %parallel_loop3A_76, %parallel_loop3A_82 : i32
        %parallel_loop3A_84 = arith.index_cast %parallel_loop3A_83 : i32 to index
        %parallel_loop3A_85 = tpu.vector_load %arg12[%parallel_loop3A_84] {strides = array<i32>} : memref<5248xf32, #tpu.memory_space<vmem>>, vector<16xf32>,
        tpu.vector_store %arg12[%parallel_loop3A_84], %parallel_loop3A_81 {strides = array<i32>} : memref<5248xf32, #tpu.memory_space<vmem>>, vector<16xf32>,
      } {sc.loop_unroll_factor = 1 : i64, sc.parallel_access}
      "tpu.region"() ({
        %run_scoped3A_76 = tpu.sem_alloc : memref<!tpu.dma_semaphore, #tpu.memory_space<semaphore_mem>>
        %dma_start3A_77 = arith.constant 4992 : i32
        %dma_start3A_78 = tpu.memref_slice %arg12[%dma_start3A_77] : memref<5248xf32, #tpu.memory_space<vmem>> -> memref<256xf32, #tpu.memory_space<vmem>>
        %dma_start3A_79 = arith.constant 159744 : i32
        %dma_start3A_80 = tpu.memref_slice %arg4[%dma_start3A_79] : memref<160000xf32, #tpu.memory_space<hbm>> -> memref<256xf32, #tpu.memory_space<hbm>>
        %dma_start3A_81 = arith.constant 159744 : i32
        %dma_start3A_82 = tpu.memref_slice %arg4[%dma_start3A_81] : memref<160000xf32, #tpu.memory_space<hbm>> -> memref<256xf32, #tpu.memory_space<hbm>>
        %dma_start3A_83 = arith.constant 4992 : i32
        %dma_start3A_84 = tpu.memref_slice %arg12[%dma_start3A_83] : memref<5248xf32, #tpu.memory_space<vmem>> -> memref<256xf32, #tpu.memory_space<vmem>>
        tpu.enqueue_dma source(%dma_start3A_84 : memref<256xf32, #tpu.memory_space<vmem>>) target(%dma_start3A_82 : memref<256xf32, #tpu.memory_space<hbm>>) target_semaphore(%run_scoped3A_76 : memref<!tpu.dma_semaphore, #tpu.memory_space<semaphore_mem>>)
        %dma_wait3A_85 = arith.constant 4992 : i32
        %dma_wait3A_86 = tpu.memref_slice %arg12[%dma_wait3A_85] : memref<5248xf32, #tpu.memory_space<vmem>> -> memref<256xf32, #tpu.memory_space<vmem>>
        %dma_wait3A_87 = arith.constant 159744 : i32
        %dma_wait3A_88 = tpu.memref_slice %arg4[%dma_wait3A_87] : memref<160000xf32, #tpu.memory_space<hbm>> -> memref<256xf32, #tpu.memory_space<hbm>>
        %dma_wait3A_89 = arith.constant 159744 : i32
        %dma_wait3A_90 = tpu.memref_slice %arg4[%dma_wait3A_89] : memref<160000xf32, #tpu.memory_space<hbm>> -> memref<256xf32, #tpu.memory_space<hbm>>
        %dma_wait3A_91 = arith.constant 4992 : i32
        %dma_wait3A_92 = tpu.memref_slice %arg12[%dma_wait3A_91] : memref<5248xf32, #tpu.memory_space<vmem>> -> memref<256xf32, #tpu.memory_space<vmem>>
        tpu.wait_dma2 semaphore(%run_scoped3A_76 : memref<!tpu.dma_semaphore, #tpu.memory_space<semaphore_mem>>) src(%dma_wait3A_92 : memref<256xf32, #tpu.memory_space<vmem>>) dst(%dma_wait3A_90 : memref<256xf32, #tpu.memory_space<hbm>>)
        tpu.yield
      }) : () -> ()
    } else {
    }
    return
  }
}

module attributes {stable_mosaic.version = 14 : i64} {
  func.func @body(%arg0: i32, %arg1: memref<1x1x6400xf32, #tpu.memory_space<vmem>>, %arg2: memref<6400x256xf32, #tpu.memory_space<vmem>>, %arg3: memref<64x256xf32, #tpu.memory_space<vmem>>, %arg4: memref<64x128xf32, #tpu.memory_space<vmem>>, %arg5: memref<64x256xf32, #tpu.memory_space<vmem>>, %arg6: memref<768x256xf32, #tpu.memory_space<vmem>>, %arg7: memref<1x256xf32, #tpu.memory_space<vmem>>, %arg8: memref<256x256xf32, #tpu.memory_space<vmem>>, %arg9: memref<1x256xf32, #tpu.memory_space<vmem>>, %arg10: memref<64x256xf32, #tpu.memory_space<vmem>>, %arg11: memref<64x256xf32, #tpu.memory_space<vmem>>) attributes {dimension_semantics = [#tpu.dimension_semantics<arbitrary>], iteration_bounds = array<i64: 25>, scalar_prefetch = 0 : i64, scratch_operands = 1 : i64, tpu.core_type = #tpu.core_type<tc>, window_params = [{transform_indices = @transform_0, window_bounds = array<i64: 1, 1, 6400>}, {transform_indices = @transform_1, window_bounds = array<i64: 6400, 256>}, {pipeline_mode = #tpu.pipeline_mode<synchronous>, transform_indices = @transform_2, window_bounds = array<i64: 64, 256>}, {pipeline_mode = #tpu.pipeline_mode<synchronous>, transform_indices = @transform_3, window_bounds = array<i64: 64, 128>}, {pipeline_mode = #tpu.pipeline_mode<synchronous>, transform_indices = @transform_4, window_bounds = array<i64: 64, 256>}, {pipeline_mode = #tpu.pipeline_mode<synchronous>, transform_indices = @transform_5, window_bounds = array<i64: 768, 256>}, {pipeline_mode = #tpu.pipeline_mode<synchronous>, transform_indices = @transform_6, window_bounds = array<i64: 1, 256>}, {pipeline_mode = #tpu.pipeline_mode<synchronous>, transform_indices = @transform_7, window_bounds = array<i64: 256, 256>}, {pipeline_mode = #tpu.pipeline_mode<synchronous>, transform_indices = @transform_8, window_bounds = array<i64: 1, 256>}, {pipeline_mode = #tpu.pipeline_mode<synchronous>, transform_indices = @transform_9, window_bounds = array<i64: 64, 256>}]} {
    %eq3A = arith.constant 0 : i32
    %eq3A_0 = arith.cmpi eq, %arg0, %eq3A : i32
    %convert_element_type3A = arith.extui %eq3A_0 : i1 to i32
    %cond3A = arith.constant 0 : i32
    %cond3A_1 = arith.cmpi ne, %convert_element_type3A, %cond3A : i32
    scf.if %cond3A_1 {
      %broadcast_in_dim3A_29 = arith.constant 0.000000e+00 : f32
      %broadcast_in_dim3A_30 = vector.broadcast %broadcast_in_dim3A_29 : f32 to vector<64x256xf32>
      %swap3A_31 = arith.constant 0 : index
      %swap3A_32 = arith.constant 0 : index
      %swap3A_33 = vector.load %arg11[%swap3A_31, %swap3A_32] : memref<64x256xf32, #tpu.memory_space<vmem>>, vector<64x256xf32>
      tpu.vector_store %arg11[%swap3A_31, %swap3A_32], %broadcast_in_dim3A_30 {strides = array<i32>} : memref<64x256xf32, #tpu.memory_space<vmem>>, vector<64x256xf32>,
    } else {
    }
    %get3A = arith.constant 0 : index
    %get3A_2 = arith.constant 0 : index
    %get3A_3 = arith.constant 0 : index
    %get3A_4 = vector.load %arg1[%get3A, %get3A_2, %get3A_3] : memref<1x1x6400xf32, #tpu.memory_space<vmem>>, vector<1x1x6400xf32>
    %get3A_5 = vector.shape_cast %get3A_4 : vector<1x1x6400xf32> to vector<1x6400xf32>
    %floor3A = math.floor %get3A_5 : vector<1x6400xf32>
    %sub3A = arith.subf %get3A_5, %floor3A : vector<1x6400xf32>
    %mul3A = arith.constant 2.000000e+00 : f32
    %mul3A_6 = vector.broadcast %mul3A : f32 to vector<1x6400xf32>
    %mul3A_7 = arith.mulf %sub3A, %mul3A_6 : vector<1x6400xf32>
    %convert_element_type3A_8 = arith.fptosi %floor3A : vector<1x6400xf32> to vector<1x6400xi32>
    %iota3A = tpu.iota {dimensions = array<i32: 0>} : vector<64x6400xi32>
    %eq3A_9 = vector.broadcast %convert_element_type3A_8 : vector<1x6400xi32> to vector<64x6400xi32>
    %eq3A_10 = arith.cmpi eq, %eq3A_9, %iota3A : vector<64x6400xi32>
    %broadcast_in_dim3A = vector.shape_cast %mul3A_7 : vector<1x6400xf32> to vector<1x6400xf32>
    %broadcast_in_dim3A_11 = vector.broadcast %broadcast_in_dim3A : vector<1x6400xf32> to vector<64x6400xf32>
    %jit3A = arith.constant 0.000000e+00 : f32
    %broadcast_in_dim3A_12 = vector.broadcast %jit3A : f32 to vector<64x6400xf32>
    %select_n3A = arith.select %eq3A_10, %broadcast_in_dim3A_11, %broadcast_in_dim3A_12 : vector<64x6400xi1>, vector<64x6400xf32>
    %get3A_13 = arith.constant 0 : index
    %get3A_14 = arith.constant 0 : index
    %get3A_15 = vector.load %arg11[%get3A_13, %get3A_14] : memref<64x256xf32, #tpu.memory_space<vmem>>, vector<64x256xf32>
    %convert_element_type3A_16 = arith.truncf %select_n3A : vector<64x6400xf32> to vector<64x6400xbf16>
    %get3A_17 = arith.constant 0 : index
    %get3A_18 = arith.constant 0 : index
    %get3A_19 = vector.load %arg2[%get3A_17, %get3A_18] : memref<6400x256xf32, #tpu.memory_space<vmem>>, vector<6400x256xf32>
    %convert_element_type3A_20 = arith.truncf %get3A_19 : vector<6400x256xf32> to vector<6400x256xbf16>
    %dot_general3A = arith.constant dense<0.000000e+00> : vector<64x256xf32>
    %dot_general3A_21 = tpu.matmul %convert_element_type3A_16, %convert_element_type3A_20, %dot_general3A {dimension_numbers = #tpu.dot_dimension_numbers<[1], [0], [0], [1], [0, 0, 1, 1], [], []>, transpose_lhs_hint = false} : vector<64x6400xbf16>, vector<6400x256xbf16>, vector<64x256xf32> -> vector<64x256xf32>
    %add3A = arith.addf %get3A_15, %dot_general3A_21 : vector<64x256xf32>
    %swap3A = arith.constant 0 : index
    %swap3A_22 = arith.constant 0 : index
    %swap3A_23 = vector.load %arg11[%swap3A, %swap3A_22] : memref<64x256xf32, #tpu.memory_space<vmem>>, vector<64x256xf32>
    tpu.vector_store %arg11[%swap3A, %swap3A_22], %add3A {strides = array<i32>} : memref<64x256xf32, #tpu.memory_space<vmem>>, vector<64x256xf32>,
    %eq3A_24 = arith.constant 24 : i32
    %eq3A_25 = arith.cmpi eq, %arg0, %eq3A_24 : i32
    %convert_element_type3A_26 = arith.extui %eq3A_25 : i1 to i32
    %cond3A_27 = arith.constant 0 : i32
    %cond3A_28 = arith.cmpi ne, %convert_element_type3A_26, %cond3A_27 : i32
    scf.if %cond3A_28 {
      %get3A_29 = arith.constant 0 : index
      %get3A_30 = arith.constant 0 : index
      %get3A_31 = vector.load %arg4[%get3A_29, %get3A_30] : memref<64x128xf32, #tpu.memory_space<vmem>>, vector<64x1xf32>
      %max3A = arith.constant 1.000000e+00 : f32
      %max3A_32 = vector.broadcast %max3A : f32 to vector<64x1xf32>
      %max3A_33 = arith.maximumf %get3A_31, %max3A_32 : vector<64x1xf32>
      %get3A_34 = arith.constant 0 : index
      %get3A_35 = arith.constant 0 : index
      %get3A_36 = vector.load %arg11[%get3A_34, %get3A_35] : memref<64x256xf32, #tpu.memory_space<vmem>>, vector<64x256xf32>
      %div3A = vector.broadcast %max3A_33 : vector<64x1xf32> to vector<64x256xf32>
      %div3A_37 = arith.divf %get3A_36, %div3A : vector<64x256xf32>
      %get3A_38 = arith.constant 0 : index
      %get3A_39 = arith.constant 0 : index
      %get3A_40 = vector.load %arg3[%get3A_38, %get3A_39] : memref<64x256xf32, #tpu.memory_space<vmem>>, vector<64x256xf32>
      %div3A_41 = vector.broadcast %max3A_33 : vector<64x1xf32> to vector<64x256xf32>
      %div3A_42 = arith.divf %get3A_40, %div3A_41 : vector<64x256xf32>
      %get3A_43 = arith.constant 0 : index
      %get3A_44 = arith.constant 0 : index
      %get3A_45 = vector.load %arg6[%get3A_43, %get3A_44] : memref<768x256xf32, #tpu.memory_space<vmem>>, vector<256x256xf32>
      %dot_general3A_46 = arith.constant dense<0.000000e+00> : vector<64x256xf32>
      %dot_general3A_47 = tpu.matmul %div3A_37, %get3A_45, %dot_general3A_46 {dimension_numbers = #tpu.dot_dimension_numbers<[1], [0], [0], [1], [0, 0, 1, 1], [], []>, precision = #tpu.contract_precision<fp32>, transpose_lhs_hint = false} : vector<64x256xf32>, vector<256x256xf32>, vector<64x256xf32> -> vector<64x256xf32>
      %get3A_48 = arith.constant 256 : index
      %get3A_49 = arith.constant 0 : index
      %get3A_50 = vector.load %arg6[%get3A_48, %get3A_49] : memref<768x256xf32, #tpu.memory_space<vmem>>, vector<256x256xf32>
      %dot_general3A_51 = arith.constant dense<0.000000e+00> : vector<64x256xf32>
      %dot_general3A_52 = tpu.matmul %div3A_42, %get3A_50, %dot_general3A_51 {dimension_numbers = #tpu.dot_dimension_numbers<[1], [0], [0], [1], [0, 0, 1, 1], [], []>, precision = #tpu.contract_precision<fp32>, transpose_lhs_hint = false} : vector<64x256xf32>, vector<256x256xf32>, vector<64x256xf32> -> vector<64x256xf32>
      %add3A_53 = arith.addf %dot_general3A_47, %dot_general3A_52 : vector<64x256xf32>
      %get3A_54 = arith.constant 0 : index
      %get3A_55 = arith.constant 0 : index
      %get3A_56 = vector.load %arg5[%get3A_54, %get3A_55] : memref<64x256xf32, #tpu.memory_space<vmem>>, vector<64x256xf32>
      %get3A_57 = arith.constant 512 : index
      %get3A_58 = arith.constant 0 : index
      %get3A_59 = vector.load %arg6[%get3A_57, %get3A_58] : memref<768x256xf32, #tpu.memory_space<vmem>>, vector<256x256xf32>
      %dot_general3A_60 = arith.constant dense<0.000000e+00> : vector<64x256xf32>
      %dot_general3A_61 = tpu.matmul %get3A_56, %get3A_59, %dot_general3A_60 {dimension_numbers = #tpu.dot_dimension_numbers<[1], [0], [0], [1], [0, 0, 1, 1], [], []>, precision = #tpu.contract_precision<fp32>, transpose_lhs_hint = false} : vector<64x256xf32>, vector<256x256xf32>, vector<64x256xf32> -> vector<64x256xf32>
      %add3A_62 = arith.addf %add3A_53, %dot_general3A_61 : vector<64x256xf32>
      %get3A_63 = arith.constant 0 : index
      %get3A_64 = arith.constant 0 : index
      %get3A_65 = vector.load %arg7[%get3A_63, %get3A_64] : memref<1x256xf32, #tpu.memory_space<vmem>>, vector<1x256xf32>
      %add3A_66 = vector.broadcast %get3A_65 : vector<1x256xf32> to vector<64x256xf32>
      %add3A_67 = arith.addf %add3A_62, %add3A_66 : vector<64x256xf32>
      %max3A_68 = arith.constant 0.000000e+00 : f32
      %max3A_69 = vector.broadcast %max3A_68 : f32 to vector<64x256xf32>
      %max3A_70 = arith.maximumf %add3A_67, %max3A_69 : vector<64x256xf32>
      %get3A_71 = arith.constant 0 : index
      %get3A_72 = arith.constant 0 : index
      %get3A_73 = vector.load %arg8[%get3A_71, %get3A_72] : memref<256x256xf32, #tpu.memory_space<vmem>>, vector<256x256xf32>
      %dot_general3A_74 = arith.constant dense<0.000000e+00> : vector<64x256xf32>
      %dot_general3A_75 = tpu.matmul %max3A_70, %get3A_73, %dot_general3A_74 {dimension_numbers = #tpu.dot_dimension_numbers<[1], [0], [0], [1], [0, 0, 1, 1], [], []>, precision = #tpu.contract_precision<fp32>, transpose_lhs_hint = false} : vector<64x256xf32>, vector<256x256xf32>, vector<64x256xf32> -> vector<64x256xf32>
      %get3A_76 = arith.constant 0 : index
      %get3A_77 = arith.constant 0 : index
      %get3A_78 = vector.load %arg9[%get3A_76, %get3A_77] : memref<1x256xf32, #tpu.memory_space<vmem>>, vector<1x256xf32>
      %add3A_79 = vector.broadcast %get3A_78 : vector<1x256xf32> to vector<64x256xf32>
      %add3A_80 = arith.addf %dot_general3A_75, %add3A_79 : vector<64x256xf32>
      %swap3A_81 = arith.constant 0 : index
      %swap3A_82 = arith.constant 0 : index
      %swap3A_83 = vector.load %arg10[%swap3A_81, %swap3A_82] : memref<64x256xf32, #tpu.memory_space<vmem>>, vector<64x256xf32>
      tpu.vector_store %arg10[%swap3A_81, %swap3A_82], %add3A_80 {strides = array<i32>} : memref<64x256xf32, #tpu.memory_space<vmem>>, vector<64x256xf32>,
    } else {
    }
    return
  }
  func.func @transform_0(%arg0: i32) -> (i32, i32, i32) {
    %c0_i32 = arith.constant 0 : i32
    %c0_i32_0 = arith.constant 0 : i32
    %c0_i32_1 = arith.constant 0 : i32
    return %arg0, %c0_i32, %c0_i32_0 : i32, i32, i32
  }
  func.func @transform_1(%arg0: i32) -> (i32, i32) {
    %c0_i32 = arith.constant 0 : i32
    %c0_i32_0 = arith.constant 0 : i32
    return %arg0, %c0_i32 : i32, i32
  }
  func.func @transform_2(%arg0: i32) -> (i32, i32) {
    %c0_i32 = arith.constant 0 : i32
    %c0_i32_0 = arith.constant 0 : i32
    %c0_i32_1 = arith.constant 0 : i32
    return %c0_i32, %c0_i32_0 : i32, i32
  }
  func.func @transform_3(%arg0: i32) -> (i32, i32) {
    %c0_i32 = arith.constant 0 : i32
    %c0_i32_0 = arith.constant 0 : i32
    %c0_i32_1 = arith.constant 0 : i32
    return %c0_i32, %c0_i32_0 : i32, i32
  }
  func.func @transform_4(%arg0: i32) -> (i32, i32) {
    %c0_i32 = arith.constant 0 : i32
    %c0_i32_0 = arith.constant 0 : i32
    %c0_i32_1 = arith.constant 0 : i32
    return %c0_i32, %c0_i32_0 : i32, i32
  }
  func.func @transform_5(%arg0: i32) -> (i32, i32) {
    %c0_i32 = arith.constant 0 : i32
    %c0_i32_0 = arith.constant 0 : i32
    %c0_i32_1 = arith.constant 0 : i32
    return %c0_i32, %c0_i32_0 : i32, i32
  }
  func.func @transform_6(%arg0: i32) -> (i32, i32) {
    %c0_i32 = arith.constant 0 : i32
    %c0_i32_0 = arith.constant 0 : i32
    %c0_i32_1 = arith.constant 0 : i32
    return %c0_i32, %c0_i32_0 : i32, i32
  }
  func.func @transform_7(%arg0: i32) -> (i32, i32) {
    %c0_i32 = arith.constant 0 : i32
    %c0_i32_0 = arith.constant 0 : i32
    %c0_i32_1 = arith.constant 0 : i32
    return %c0_i32, %c0_i32_0 : i32, i32
  }
  func.func @transform_8(%arg0: i32) -> (i32, i32) {
    %c0_i32 = arith.constant 0 : i32
    %c0_i32_0 = arith.constant 0 : i32
    %c0_i32_1 = arith.constant 0 : i32
    return %c0_i32, %c0_i32_0 : i32, i32
  }
  func.func @transform_9(%arg0: i32) -> (i32, i32) {
    %c0_i32 = arith.constant 0 : i32
    %c0_i32_0 = arith.constant 0 : i32
    %c0_i32_1 = arith.constant 0 : i32
    return %c0_i32, %c0_i32_0 : i32, i32
  }
}

module attributes {stable_mosaic.version = 14 : i64} {
  func.func @body(%arg0: i32, %arg1: memref<1x1x1000xi32, #tpu.memory_space<vmem>>, %arg2: memref<1000x256xf32, #tpu.memory_space<vmem>>, %arg3: memref<64x256xf32, #tpu.memory_space<vmem>>, %arg4: memref<64x128xf32, #tpu.memory_space<vmem>>, %arg5: memref<64x256xf32, #tpu.memory_space<vmem>>, %arg6: memref<64x128xf32, #tpu.memory_space<vmem>>) attributes {dimension_semantics = [#tpu.dimension_semantics<arbitrary>], iteration_bounds = array<i64: 10>, scalar_prefetch = 0 : i64, scratch_operands = 2 : i64, tpu.core_type = #tpu.core_type<tc>, window_params = [{transform_indices = @transform_0, window_bounds = array<i64: 1, 1, 1000>}, {transform_indices = @transform_1, window_bounds = array<i64: 1000, 256>}, {pipeline_mode = #tpu.pipeline_mode<synchronous>, transform_indices = @transform_2, window_bounds = array<i64: 64, 256>}, {pipeline_mode = #tpu.pipeline_mode<synchronous>, transform_indices = @transform_3, window_bounds = array<i64: 64, 128>}]} {
    %eq3A = arith.constant 0 : i32
    %eq3A_0 = arith.cmpi eq, %arg0, %eq3A : i32
    %convert_element_type3A = arith.extui %eq3A_0 : i1 to i32
    %cond3A = arith.constant 0 : i32
    %cond3A_1 = arith.cmpi ne, %convert_element_type3A, %cond3A : i32
    scf.if %cond3A_1 {
      %broadcast_in_dim3A_36 = arith.constant 0.000000e+00 : f32
      %broadcast_in_dim3A_37 = vector.broadcast %broadcast_in_dim3A_36 : f32 to vector<64x256xf32>
      %swap3A_38 = arith.constant 0 : index
      %swap3A_39 = arith.constant 0 : index
      %swap3A_40 = vector.load %arg5[%swap3A_38, %swap3A_39] : memref<64x256xf32, #tpu.memory_space<vmem>>, vector<64x256xf32>
      tpu.vector_store %arg5[%swap3A_38, %swap3A_39], %broadcast_in_dim3A_37 {strides = array<i32>} : memref<64x256xf32, #tpu.memory_space<vmem>>, vector<64x256xf32>,
      %broadcast_in_dim3A_41 = arith.constant 0.000000e+00 : f32
      %broadcast_in_dim3A_42 = vector.broadcast %broadcast_in_dim3A_41 : f32 to vector<64x128xf32>
      %swap3A_43 = arith.constant 0 : index
      %swap3A_44 = arith.constant 0 : index
      %swap3A_45 = vector.load %arg6[%swap3A_43, %swap3A_44] : memref<64x128xf32, #tpu.memory_space<vmem>>, vector<64x128xf32>
      tpu.vector_store %arg6[%swap3A_43, %swap3A_44], %broadcast_in_dim3A_42 {strides = array<i32>} : memref<64x128xf32, #tpu.memory_space<vmem>>, vector<64x128xf32>,
    } else {
    }
    %get3A = arith.constant 0 : index
    %get3A_2 = arith.constant 0 : index
    %get3A_3 = arith.constant 0 : index
    %get3A_4 = vector.load %arg1[%get3A, %get3A_2, %get3A_3] : memref<1x1x1000xi32, #tpu.memory_space<vmem>>, vector<1x1x1000xi32>
    %get3A_5 = vector.shape_cast %get3A_4 : vector<1x1x1000xi32> to vector<1x1000xi32>
    %iota3A = tpu.iota {dimensions = array<i32: 0>} : vector<64x1000xi32>
    %eq3A_6 = vector.broadcast %get3A_5 : vector<1x1000xi32> to vector<64x1000xi32>
    %eq3A_7 = arith.cmpi eq, %eq3A_6, %iota3A : vector<64x1000xi32>
    %jit3A = arith.constant 1.000000e+00 : f32
    %jit3A_8 = arith.constant 0.000000e+00 : f32
    %broadcast_in_dim3A = vector.broadcast %jit3A : f32 to vector<64x1000xf32>
    %broadcast_in_dim3A_9 = vector.broadcast %jit3A_8 : f32 to vector<64x1000xf32>
    %select_n3A = arith.select %eq3A_7, %broadcast_in_dim3A, %broadcast_in_dim3A_9 : vector<64x1000xi1>, vector<64x1000xf32>
    %get3A_10 = arith.constant 0 : index
    %get3A_11 = arith.constant 0 : index
    %get3A_12 = vector.load %arg5[%get3A_10, %get3A_11] : memref<64x256xf32, #tpu.memory_space<vmem>>, vector<64x256xf32>
    %convert_element_type3A_13 = arith.truncf %select_n3A : vector<64x1000xf32> to vector<64x1000xbf16>
    %get3A_14 = arith.constant 0 : index
    %get3A_15 = arith.constant 0 : index
    %get3A_16 = vector.load %arg2[%get3A_14, %get3A_15] : memref<1000x256xf32, #tpu.memory_space<vmem>>, vector<1000x256xf32>
    %convert_element_type3A_17 = arith.truncf %get3A_16 : vector<1000x256xf32> to vector<1000x256xbf16>
    %dot_general3A = arith.constant dense<0.000000e+00> : vector<64x256xf32>
    %dot_general3A_18 = tpu.matmul %convert_element_type3A_13, %convert_element_type3A_17, %dot_general3A {dimension_numbers = #tpu.dot_dimension_numbers<[1], [0], [0], [1], [0, 0, 1, 1], [], []>, transpose_lhs_hint = false} : vector<64x1000xbf16>, vector<1000x256xbf16>, vector<64x256xf32> -> vector<64x256xf32>
    %add3A = arith.addf %get3A_12, %dot_general3A_18 : vector<64x256xf32>
    %swap3A = arith.constant 0 : index
    %swap3A_19 = arith.constant 0 : index
    %swap3A_20 = vector.load %arg5[%swap3A, %swap3A_19] : memref<64x256xf32, #tpu.memory_space<vmem>>, vector<64x256xf32>
    tpu.vector_store %arg5[%swap3A, %swap3A_19], %add3A {strides = array<i32>} : memref<64x256xf32, #tpu.memory_space<vmem>>, vector<64x256xf32>,
    %get3A_21 = arith.constant 0 : index
    %get3A_22 = arith.constant 0 : index
    %get3A_23 = vector.load %arg6[%get3A_21, %get3A_22] : memref<64x128xf32, #tpu.memory_space<vmem>>, vector<64x128xf32>
    %reduce_sum3A = arith.constant dense<0.000000e+00> : vector<64xf32>
    %reduce_sum3A_24 = vector.multi_reduction <add>, %select_n3A, %reduce_sum3A [1] : vector<64x1000xf32> to vector<64xf32>
    %broadcast_in_dim3A_25 = vector.shape_cast %reduce_sum3A_24 : vector<64xf32> to vector<64x1xf32>
    %add3A_26 = vector.broadcast %broadcast_in_dim3A_25 : vector<64x1xf32> to vector<64x128xf32>
    %add3A_27 = arith.addf %get3A_23, %add3A_26 : vector<64x128xf32>
    %swap3A_28 = arith.constant 0 : index
    %swap3A_29 = arith.constant 0 : index
    %swap3A_30 = vector.load %arg6[%swap3A_28, %swap3A_29] : memref<64x128xf32, #tpu.memory_space<vmem>>, vector<64x128xf32>
    tpu.vector_store %arg6[%swap3A_28, %swap3A_29], %add3A_27 {strides = array<i32>} : memref<64x128xf32, #tpu.memory_space<vmem>>, vector<64x128xf32>,
    %eq3A_31 = arith.constant 9 : i32
    %eq3A_32 = arith.cmpi eq, %arg0, %eq3A_31 : i32
    %convert_element_type3A_33 = arith.extui %eq3A_32 : i1 to i32
    %cond3A_34 = arith.constant 0 : i32
    %cond3A_35 = arith.cmpi ne, %convert_element_type3A_33, %cond3A_34 : i32
    scf.if %cond3A_35 {
      %get3A_36 = arith.constant 0 : index
      %get3A_37 = arith.constant 0 : index
      %get3A_38 = vector.load %arg5[%get3A_36, %get3A_37] : memref<64x256xf32, #tpu.memory_space<vmem>>, vector<64x256xf32>
      %swap3A_39 = arith.constant 0 : index
      %swap3A_40 = arith.constant 0 : index
      %swap3A_41 = vector.load %arg3[%swap3A_39, %swap3A_40] : memref<64x256xf32, #tpu.memory_space<vmem>>, vector<64x256xf32>
      tpu.vector_store %arg3[%swap3A_39, %swap3A_40], %get3A_38 {strides = array<i32>} : memref<64x256xf32, #tpu.memory_space<vmem>>, vector<64x256xf32>,
      %get3A_42 = arith.constant 0 : index
      %get3A_43 = arith.constant 0 : index
      %get3A_44 = vector.load %arg6[%get3A_42, %get3A_43] : memref<64x128xf32, #tpu.memory_space<vmem>>, vector<64x128xf32>
      %swap3A_45 = arith.constant 0 : index
      %swap3A_46 = arith.constant 0 : index
      %swap3A_47 = vector.load %arg4[%swap3A_45, %swap3A_46] : memref<64x128xf32, #tpu.memory_space<vmem>>, vector<64x128xf32>
      tpu.vector_store %arg4[%swap3A_45, %swap3A_46], %get3A_44 {strides = array<i32>} : memref<64x128xf32, #tpu.memory_space<vmem>>, vector<64x128xf32>,
    } else {
    }
    return
  }
  func.func @transform_0(%arg0: i32) -> (i32, i32, i32) {
    %c0_i32 = arith.constant 0 : i32
    %c0_i32_0 = arith.constant 0 : i32
    %c0_i32_1 = arith.constant 0 : i32
    return %arg0, %c0_i32, %c0_i32_0 : i32, i32, i32
  }
  func.func @transform_1(%arg0: i32) -> (i32, i32) {
    %c0_i32 = arith.constant 0 : i32
    %c0_i32_0 = arith.constant 0 : i32
    return %arg0, %c0_i32 : i32, i32
  }
  func.func @transform_2(%arg0: i32) -> (i32, i32) {
    %c0_i32 = arith.constant 0 : i32
    %c0_i32_0 = arith.constant 0 : i32
    %c0_i32_1 = arith.constant 0 : i32
    return %c0_i32, %c0_i32_0 : i32, i32
  }
  func.func @transform_3(%arg0: i32) -> (i32, i32) {
    %c0_i32 = arith.constant 0 : i32
    %c0_i32_0 = arith.constant 0 : i32
    %c0_i32_1 = arith.constant 0 : i32
    return %c0_i32, %c0_i32_0 : i32, i32
  }
}

</mosaic_0001>

<sc_bundles>
// kernel: kernel.5.cloned.1.call-start
scs
__scs_entry_jumppad:
0x0: {  	(pc) =	sbr.rel $0x88, $3  }
0x1: {  	(tag) =	ssettag $0x0;
	lr =	simm.s32 $0x1  }
0x2: {  	[smem:$0x3F98] =	sst lr;
	_ =	strace $0xD0000000  }
0x3: {  	_ = 	snop  }
0x4: {  	_ = 	snop  }
0x5: {  	_ = 	snop  }
0x6: {  	_ = 	snop  }
0x7: {  	_ = 	snop  }
__scs_overlays_trampoline_lowered:
0x8: {  	[smem:$0x3FA7] =	sst s0  }
0x9: {  	[smem:$0x3FA8] =	sst s1  }
0xa: {  	[smem:$0x3FA9] =	sst s2  }
0xb: {  	[smem:$0x3FAA] =	sst s3  }
0xc: {  	[smem:$0x3FAB] =	sst s4  }
0xd: {  	[smem:$0x3FAC] =	sst s5  }
0xe: {  	[smem:$0x3FAD] =	sst s6  }
0xf: {  	[smem:$0x3FAE] =	sst s7  }
0x10: {  	[smem:$0x3FAF] =	sst s8  }
0x11: {  	[smem:$0x3FB0] =	sst s9;
	s0 =	simm.s32 @!p0 $0x0  }
0x12: {  	s1 =	sld [smem:$0x3F96];
	s0 =	simm.s32 @p0 $0x1  }
0x13: {  	[smem:$0x3FB1] =	sst s0;
	s0 =	simm.s32 @!p1 $0x0  }
0x14: {  	s2 =	sld [smem:$0x3F95];
	s0 =	simm.s32 @p1 $0x1  }
0x15: {  	[smem:$0x3FB2] =	sst s0;
	s0 =	simm.s32 @!p2 $0x0  }
0x16: {  	s3 =	sld [smem:$0x3FDB];
	s0 =	simm.s32 @p2 $0x1  }
0x17: {  	s4 =	simm.s32 $0x1BF5;
	[smem:$0x3FB4] =	sst s0  }
0x18: {  	s0 =	sld [smem:$0x3F97];
	_ =	swait.ge [sflag:s4], $0x0  }
0x19: {  	s7 =	sld [smem:$0x3F98]  }
0x1a: {  	s8 =	sadd.s32 $0xFFFFE003, lr  }
0x1b: {  	s9 =	sadd.s32 $0xFFFFFEF7, lr;
	s5 =	simm.s32 $0xFFFFFFFF;
	p2 =	slt.u32 s8, $0xFFFFF086  }
0x1c: {  	p1 =	slt.u32 s9, $0xF7A;
	s5 =	simm.s32 @!p2 $0x0  }
0x1d: {  	s5 =	simm.s32 @p1 $0x1;
	p0 =	seq.s32 s7, s2  }
0x1e: {  	s7 =	smul.u32 @!p0 $0xF7A, s2;
	p2 =	seq.s32 @!p0 s5, $0x0  }
0x1f: {  	s9 =	smul.u32 $0xF7A, s1;
	s8 =	simm.s32 @!p0 $0x1BF5;
	p2 =	por !p2, p0  }
0x20: {  	[sflag:s8] =	ssyncset.s32 @!p0 $0xFFFFF086;
	s6 =	sadd.s32 @!p0 s3, s7;
	s7 =	simm.s32 @!p0 $0x108  }
0x21: {  	s3 =	sadd.s32 s3, s9;
	s6 =	sadd.s32 @!p0 $0x88, s6;
	s7 =	simm.s32 @p2 $0x1082  }
0x22: {  	[simem:s7], [sflag:s8] =	dma.local @!p0 [hbm:s6], $0xF7A  }
0x23: {  	s9 =	sor.u32 $0xD0000000, s2;
	s6 =	simm.s32 $0x108;
	_ =	swait.ge @!p0 [sflag:s8], $0x0  }
0x24: {  	s3 =	sadd.s32 $0x88, s3;
	s6 =	simm.s32 @!p1 $0x1082;
	[sflag:s4] =	ssyncset.s32 $0xFFFFF086  }
0x25: {  	[simem:s6], [sflag:s4] =	dma.local [hbm:s3], $0xF7A  }
0x26: {  	[smem:$0x3F98] =	sst s1;
	(tag) =	ssettag s2;
	_ =	strace s9  }
0x27: {  	s1 =	sld [smem:$0x3FA8]  }
0x28: {  	s2 =	sld [smem:$0x3FA9]  }
0x29: {  	s4 =	sld [smem:$0x3FAB]  }
0x2a: {  	p0 =	seq.s32 s5, $0x0;
	s5 =	sld [smem:$0x3FAC]  }
0x2b: {  	s6 =	sld [smem:$0x3FAD]  }
0x2c: {  	s7 =	sld [smem:$0x3FAE]  }
0x2d: {  	s3 =	simm.s32 $0x108;
	s8 =	sld [smem:$0x3FAF]  }
0x2e: {  	s3 =	simm.s32 @!p0 $0x1082;
	s9 =	sld [smem:$0x3FB0]  }
0x2f: {  	lr =	sadd.s32 s0, s3;
	s0 =	sld [smem:$0x3FA7]  }
0x30: {  	s3 =	sld [smem:$0x3FAA]  }
0x31: {  	[smem:$0x3FB3] =	sst s10  }
0x32: {  	s10 =	sld [smem:$0x3FB1];
	_ =	sdelay $0x3  }
0x33: {  	p0 =	seq.s32 s10, $0x1;
	s10 =	sld [smem:$0x3FB3];
	_ =	sdelay $0x3  }
0x34: {  	[smem:$0x3FB3] =	sst s10  }
0x35: {  	s10 =	sld [smem:$0x3FB2];
	_ =	sdelay $0x3  }
0x36: {  	p1 =	seq.s32 s10, $0x1;
	s10 =	sld [smem:$0x3FB3];
	_ =	sdelay $0x3  }
0x37: {  	[smem:$0x3FB3] =	sst s10  }
0x38: {  	s10 =	sld [smem:$0x3FB4]  }
0x39: {  	_ = 	snop;
	(pc) =	sbr.ind lr, $3  }
0x3a: {  	_ = 	snop  }
0x3b: {  	_ = 	snop  }
0x3c: {  	p2 =	seq.s32 s10, $0x1;
	s10 =	sld [smem:$0x3FB3]  }
0x3d: {  	_ =	shalt  }
0x3e: {  	_ =	shalt  }
0x3f: {  	_ =	shalt  }
0x40: {  	_ =	shalt  }
0x41: {  	_ =	shalt  }
0x42: {  	_ =	shalt  }
0x43: {  	_ =	shalt  }
0x44: {  	_ =	shalt  }
0x45: {  	_ =	shalt  }
0x46: {  	_ =	shalt  }
0x47: {  	_ =	shalt  }
0x48: {  	_ =	shalt  }
0x49: {  	_ =	shalt  }
0x4a: {  	_ =	shalt  }
0x4b: {  	_ =	shalt  }
0x4c: {  	_ =	shalt  }
0x4d: {  	_ =	shalt  }
0x4e: {  	_ =	shalt  }
0x4f: {  	_ =	shalt  }
0x50: {  	_ =	shalt  }
0x51: {  	_ =	shalt  }
0x52: {  	_ =	shalt  }
0x53: {  	_ =	shalt  }
0x54: {  	_ =	shalt  }
0x55: {  	_ =	shalt  }
0x56: {  	_ =	shalt  }
0x57: {  	_ =	shalt  }
0x58: {  	_ =	shalt  }
0x59: {  	_ =	shalt  }
0x5a: {  	_ =	shalt  }
0x5b: {  	_ =	shalt  }
0x5c: {  	_ =	shalt  }
0x5d: {  	_ =	shalt  }
0x5e: {  	_ =	shalt  }
0x5f: {  	_ =	shalt  }
0x60: {  	_ =	shalt  }
0x61: {  	_ =	shalt  }
0x62: {  	_ =	shalt  }
0x63: {  	_ =	shalt  }
0x64: {  	_ =	shalt  }
0x65: {  	_ =	shalt  }
0x66: {  	_ =	shalt  }
0x67: {  	_ =	shalt  }
0x68: {  	_ =	shalt  }
0x69: {  	_ =	shalt  }
0x6a: {  	_ =	shalt  }
0x6b: {  	_ =	shalt  }
0x6c: {  	_ =	shalt  }
0x6d: {  	_ =	shalt  }
0x6e: {  	_ =	shalt  }
0x6f: {  	_ =	shalt  }
0x70: {  	_ =	shalt  }
0x71: {  	_ =	shalt  }
0x72: {  	_ =	shalt  }
0x73: {  	_ =	shalt  }
0x74: {  	_ =	shalt  }
0x75: {  	_ =	shalt  }
0x76: {  	_ =	shalt  }
0x77: {  	_ =	shalt  }
0x78: {  	_ =	shalt  }
0x79: {  	_ =	shalt  }
0x7a: {  	_ =	shalt  }
0x7b: {  	_ =	shalt  }
0x7c: {  	_ =	shalt  }
0x7d: {  	_ =	shalt  }
0x7e: {  	_ =	shalt  }
0x7f: {  	_ =	shalt  }
0x80: {  	_ =	shalt  }
0x81: {  	_ =	shalt  }
0x82: {  	_ =	shalt  }
0x83: {  	_ =	shalt  }
0x84: {  	_ =	shalt  }
0x85: {  	_ =	shalt  }
0x86: {  	_ =	shalt  }
0x87: {  	_ =	shalt  }
.Lfunc_end0:
.L_simem_size_0:
called_computation_lowered:
.L_overlay_start_0:
0x88: {  	s2 =	sld [smem:$0x3FD9]  }
0x89: {  	s3 =	sld [smem:$0x3FFE];
	_ =	sdelay $0x1  }
0x8a: {  	s1 =	srdreg.scid  }
0x8b: {  	s0 =	sand.u32 $0x1, s1  }
0x8c: {  	s17 =	sshll.u32 s0, $0xA;
	s2 =	sadd.s32 s3, s2  }
0x8d: {  	s2 =	sadd.s32 s2, s17  }
0x8e: {  	[smem:$0x3FBF] =	sst s2  }
0x8f: {  	_ = 	snop  }
0x90: {  	s2 =	sld [smem:$0x3FC8]  }
0x91: {  	s18 =	sld [smem:$0x3FC5];
	(tm) =	ssettm $0x1  }
0x92: {  	s4 =	sld [smem:$0x3FFB];
	_ =	sdelay $0x3  }
0x93: {  	_ =	strace s4  }
0x94: {  	s4 =	sld [smem:$0x3FFC];
	_ =	sdelay $0x3  }
0x95: {  	_ =	strace s4  }
0x96: {  	s4 =	sld [smem:$0x3FFD];
	_ =	sdelay $0x3  }
0x97: {  	_ =	strace s4  }
0x98: {  	_ =	strace $0x8FFFFFFF  }
0x99: {  	s19 =	sld [smem:$0x3FDB];
	_ =	sdelay $0x1  }
0x9a: {  	s5 =	simm.s32 $_scs_section_size  }
0x9b: {  	s6 =	simm.s32 $_size__tile_overlayer_lowered;
	s7 =	simm.s32 $_tile_overlayer_lowered  }
0x9c: {  	s22 =	simm.s32 $0x1BFF;
	s21 =	sshll.u32 s7, $0x1;
	s4 =	sadd.s32 s5, s19  }
0x9d: {  	s8 =	simm.s32 $0x0;
	s20 =	sshll.u32 s6, $0x1;
	s6 =	sadd.s32 s21, s4  }
0x9e: {  	[timem:s8], [sflag:s22] =	dma.local [hbm:s6], s20  }
0x9f: {  	_ =	swait.ge [sflag:s22], s20  }
0xa0: {  	s5 =	ssub.s32 $0x0, s20;
	[sflag:s22] =	ssyncset.done $0x0  }
0xa1: {  	[sflag:s22] =	ssyncadd.s32 s5;
	_ =	sdelay $0x1  }
0xa2: {  	s23 =	simm.s32 $0x1B8B  }
0xa3: {  	_ =	swait.ge [sflag:s23], $0x1  }
0xa4: {  	[sflag:s23] =	ssyncset.done $0x0  }
0xa5: {  	s25 =	simm.s32 $0x1B8E;
	s24 =	sld [smem:$0x3FFE];
	[sflag:s23] =	ssyncadd.s32 $0xFFFFFFFF  }
0xa6: {  	s26 =	simm.s32 $execute0_lowered;
	[smem:$0x3FD2] =	sst s25  }
0xa7: {  	s6 =	sshll.u32 s26, $0x1;
	_ =	strace $0x80000046;
	[dreg:$0x1] =	wrdreg $0xFFFFFFFF  }
0xa8: {  	s28 =	simm.s32 $_size_execute0_lowered;
	s4 =	sadd.s32 s4, s6;
	[dreg:$0x0] =	wrdreg $0x0  }
0xa9: {  	s6 =	sshll.u32 s28, $0x1;
	[dreg:$0x2] =	wrdreg s4  }
0xaa: {  	[dreg:$0x3] =	wrdreg s6  }
0xab: {  	[dreg:$0x4] =	wrdreg $0xC0  }
0xac: {  	_ =	task [dreg:s8], $0x5FFFF  }
0xad: {  	[dreg:$0x1] =	wrdreg $0xFFFFFFFF  }
0xae: {  	[dreg:$0x0] =	wrdreg $0x60  }
0xaf: {  	[dreg:$0x2] =	wrdreg s2  }
0xb0: {  	[dreg:$0x3] =	wrdreg s18  }
0xb1: {  	[dreg:$0x4] =	wrdreg s24  }
0xb2: {  	[dreg:$0x5] =	wrdreg $0xF3800  }
0xb3: {  	[dreg:$0x6] =	wrdreg $0x11B800  }
0xb4: {  	[dreg:$0x7] =	wrdreg $0x9  }
0xb5: {  	_ =	task.clear_ibuf [dreg:s8], $0x8FFFF;
	_ =	strace $0x90000046  }
0xb6: {  	s29 =	simm.s32 $0x9;
	_ =	strace $0x80000048  }
0xb7: {  	_ =	swait.ge [sflag:s29], $0x1  }
0xb8: {  	[sflag:s29] =	ssyncadd.s32 $0xFFFFFFFF  }
0xb9: {  	_ =	strace $0x90000048  }
0xba: {  	_ =	sfence  }
0xbb: {  	s30 =	sld [smem:$0x0];
	_ =	sdelay $0x2  }
0xbc: {  	s31 =	sshll.u32 s1, $0xD;
	s1 =	sshrl.u32 s1, $0x2  }
0xbd: {  	s3 =	sand.u32 $0x4000, s31;
	s1 =	sadd.s32 s1, s30  }
0xbe: {  	s0 =	sor.u32 s3, s0;
	s1 =	sshll.u32 s1, $0x11  }
0xbf: {  	s0 =	sor.u32 s1, s0  }
0xc0: {  	s0 =	sadd.s32 $0x8F2B, s0  }
0xc1: {  	[sflag:s0] =	ssyncadd.remote.s32 $0x1  }
0xc2: {  	_ =	sfence.sel $0xFFFF  }
0xc3: {  	[dreg:$0x0] =	wrdreg $0xFFFFFFFF;
	(pc) =	sbr.abs _section_cstart, $3  }
0xc4: {  	[dreg:$0x1] =	wrdreg $0xFFFFFFFF  }
0xc5: {  	_ =	task.clear_ibuf [dreg:s8], $0x2FFFF;
	_ =	strace $0x9FFFFFFF  }
0xc6: {  	(tm) =	ssettm $0x7FFFFFFF  }
0xc7: {  	_ =	shalt  }
tec
execute0_lowered:
.L_overlay_start_1:
0x0: {  	(tag) =	ssettag $0x1  }
0x1: {  	s0 =	rddreg [dreg:$0x0]  }
0x2: {  	s1 =	rddreg [dreg:$0x2]  }
0x3: {  	s2 =	srdreg.scid;
	s3 =	rddreg [dreg:$0x3]  }
0x4: {  	s16 =	rddreg [dreg:$0x4];
	s15 =	stileid.u32;
	s4 =	simm.s32 $0x0  }
0x5: {  	s17 =	simm.s32 $0x80;
	s18 =	simm.s32 $0x100;
	s20 =	simm.s32 $0x3  }
0x6: {  	s22 =	simm.s32 $0x3C80;
	s28 =	simm.s32 $0x1;
	s29 =	simm.s32 $0x8C80  }
0x7: {  	s30 =	simm.s32 $0x8F00;
	s31 =	simm.s32 $0x2;
	s2 =	sand.u32 $0x1, s2  }
0x8: {  	[smem:$0x7FF] =	sst s4;
	s7 =	smul.u32 $0x9C0, s15;
	s8 =	sshrl.u32 s15, $0x3  }
0x9: {  	s24 =	sshll.u32 s15, $0x4;
	s9 =	sshll.u32 s15, $0x7;
	s11 =	smul.u32 $0x5000, s15  }
0xa: {  	s26 =	sadd.s32 $0x6000, s1;
	s5 =	sshll.u32 s2, $0x4;
	_ =	strace $0x80000047  }
0xb: {  	s2 =	ssub.s32 $0x2, s2;
	s8 =	smul.u32 $0x50000, s8;
	s10 =	sand.u32 $0x380, s9  }
0xc: {  	s9 =	sor.u32 $0x2700, s24;
	[dreg:$0x6] =	wrdreg s26;
	s14 =	sor.u32 s15, s5  }
0xd: {  	s6 =	sshrl.u32 s2, $0x1;
	s25 =	sshrl.u32 s11, $0x2;
	s5 =	smul.u32 $0x270, s14  }
0xe: {  	s23 =	smul.u32 $0x4E0, s14;
	s2 =	ssub.s32 s2, s6;
	s6 =	sadd.s32 s0, s7  }
.Ltmp0:
0xf: {  	s7 =	sadd.s32 $0x9C00, s0;
	s8 =	sshrl.u32 s8, $0x2;
	(pc) =	sbr.rel .LBB2_1-.Ltmp0, $4  }
0x10: {  	s11 =	sadd.s32 s25, s3;
	p0 =	sne.s32 s14, $0x0;
	s12 =	sadd.s32 s8, s3  }
0x11: {  	s8 =	smul.u32 $0x280, s15;
	s15 =	smax.u32 s2, $0x1;
	s2 =	simm.s32 $0x0  }
0x12: {  	s13 =	sadd.s32 s5, s1;
	s5 =	sadd.s32 s0, s23;
	s10 =	sadd.s32 s10, s12  }
0x13: {  	v0 =	vimm.f32 $0.0e+00;
	v1 =	vimm.f32 $1.000000000e+00;
	s1 =	simm.s32 $0xDF00;
	s12 =	sadd.s32 s8, s16;
	s13 =	sadd.s32 $0x1200, s13  }
.LBB2_14:
0x14: {  	v3 =	vld [tilespmem:s3+$0x3B80];
	_ =	sdelay $0x7  }
0x15: {  	v3 =	vld.idx.msk [tilespmem:v3+s30+$0x0], $0xffff;
	_ =	sdelay $0x3  }
0x16: {  	[tilespmem:s0+$0xF280] =	vst v2  }
0x17: {  	[tilespmem:s3+$0xF280] =	vst v3  }
0x18: {  	s26 =	simm.s32 $0xF280;
	s0 =	rddreg [dreg:$0x6]  }
0x19: {  	[hbm4b:s0+s4] =	stream.linear.scatter [tilespmem:s26], [sflag:$0x3], $0x100, $0x38;
	[tilespmem:$0x11E00] =	vst v63  }
0x1a: {  	_ =	swait.ge [sflag:s20], $0x100  }
0x1b: {  	[sflag:s20] =	ssyncset.done $0x0  }
0x1c: {  	[sflag:s20] =	ssyncadd.s32 $0xFFFFFF00  }
.LBB2_15:
0x1d: {  	s2 =	sadd.s32 $0x1, s2  }
0x1e: {  	p1 =	sne.s32 s2, s15  }
.Ltmp1:
0x1f: {  	_ = 	snop;
	(pc) =	sbr.rel @!p1 .LBB2_16-.Ltmp1, $1  }
0x20: {  	_ =	sdelay $0x3  }
.LBB2_1:
0x21: {  	s0 =	rddreg [dreg:$0x1];
	s3 =	simm.s32 $0xB700  }
0x22: {  	[tilespmem:s3], [sflag:$0x1] =	stream.linear.gather [hbm4b:s0+s4], $0x2710, $0x38;
	[tilespmem:$0x11E00] =	vst v63  }
0x23: {  	s26 =	simm.s32 $0x2800;
	s0 =	simm.s32 $0x40;
	s3 =	simm.s32 $0x0  }
0x24: {  	[tilespmem:s26], [sflag:$0x2] =	stream.strided.gather [hbm4b:s5+s17], $0x1380, s18, s17, $0x38;
	[tilespmem:$0x11E00] =	vst v63  }
.LBB2_2:
0x25: {  	p1 =	sne.s32 s0, $0x9FC0;
	[tilespmem:s3+$0x3C80] =	vst v0;
	s3 =	smov.u32 s0;
	s0 =	sadd.s32 $0x40, s0  }
.Ltmp2:
0x26: {  	(pc) =	sbr.rel @p1 .LBB2_2-.Ltmp2, $2  }
0x27: {  	_ =	sdelay $0x2  }
0x28: {  	s3 =	sshra.s32 s3, $0x2  }
0x29: {  	[tilespmem:s3+$0x3C80] =	vst v0;
	s0 =	simm.s32 $0x0  }
0x2a: {  	[tilespmem:s0], [sflag:$0x3] =	stream.strided.gather [hbm4b:s6+s17], $0x2700, s18, s17, $0x38;
	[tilespmem:$0x11E00] =	vst v63  }
0x2b: {  	_ =	swait.ge [sflag:s20], $0x2700  }
0x2c: {  	[sflag:s20] =	ssyncset.done $0x0  }
0x2d: {  	s26 =	simm.s32 $0x2700;
	[sflag:s20] =	ssyncadd.s32 $0xFFFFD900  }
0x2e: {  	[tilespmem:s26], [sflag:$0x3] =	stream.strided.gather [hbm4b:s7+s17], $0x100, s18, s17, $0x38;
	[tilespmem:$0x11E00] =	vst v63  }
0x2f: {  	_ =	swait.ge [sflag:s20], $0x100  }
0x30: {  	[sflag:s20] =	ssyncset.done $0x0  }
0x31: {  	[sflag:s20] =	ssyncadd.s32 $0xFFFFFF00  }
.LBB2_4:
0x32: {  	s3 =	sshra.s32 s0, $0x2  }
0x33: {  	v2 =	vld [tilespmem:s3+$0x0];
	_ =	sdelay $0x7  }
0x34: {  	[tilespmem:v2+s22+$0x0] =	vst.idx.add.f32.msk $0xffff, v1  }
0x35: {  	v2 =	vld [tilespmem:s3+$0x10];
	_ =	sdelay $0x7  }
0x36: {  	[tilespmem:v2+s22+$0x0] =	vst.idx.add.f32.msk $0xffff, v1  }
0x37: {  	v2 =	vld [tilespmem:s3+$0x20];
	_ =	sdelay $0x7  }
0x38: {  	[tilespmem:v2+s22+$0x0] =	vst.idx.add.f32.msk $0xffff, v1  }
0x39: {  	v2 =	vld [tilespmem:s3+$0x30];
	_ =	sdelay $0x2  }
0x3a: {  	p1 =	sne.s32 s0, $0x9B00  }
.Ltmp3:
0x3b: {  	_ = 	snop;
	(pc) =	sbr.rel @p1 .LBB2_4-.Ltmp3, $2  }
0x3c: {  	_ =	sdelay $0x2  }
0x3d: {  	s0 =	sadd.s32 $0x100, s0;
	[tilespmem:v2+s22+$0x0] =	vst.idx.add.f32.msk $0xffff, v1  }
0x3e: {  	v2 =	vld [tilespmem:s9+$0x0];
	_ =	sdelay $0x7  }
0x3f: {  	s0 =	simm.s32 $0x400;
	[tilespmem:v2+s22+$0x0] =	vst.idx.add.f32.msk $0xffff, v1  }
0x40: {  	[spmem:s10] =	stream.strided.scatter [tilespmem:s22], [sflag:$0x3], $0x2800, s0, s17, $0x38;
	[tilespmem:$0x11E00] =	vst v63  }
0x41: {  	_ =	swait.ge [sflag:s20], $0x2800  }
0x42: {  	[sflag:s20] =	ssyncset.done $0x0  }
0x43: {  	s16 =	simm.s32 $0x1400;
	[sflag:s20] =	ssyncadd.s32 $0xFFFFD800  }
0x44: {  	s3 =	simm.s32 $0x14000;
	s14 =	simm.s32 $0x6480;
	[bflag:$0x0] =	sbarrier.arrive $0xFFFF  }
0x45: {  	[tilespmem:s14], [sflag:$0x3] =	stream.strided.gather [spmem:s11], $0x2800, s3, s16, $0x38;
	[tilespmem:$0x11E00] =	vst v63  }
0x46: {  	_ =	swait.ge [sflag:s20], $0x2800  }
0x47: {  	[sflag:s20] =	ssyncset.done $0x0  }
0x48: {  	[sflag:s20] =	ssyncadd.s32 $0xFFFFD800  }
0x49: {  	s19 =	simm.s32 $0x0;
	_ =	swait.ge [sflag:s28], $0x2710  }
0x4a: {  	s21 =	sand.u32 $0x70, s19;
	s0 =	sand.u32 $0x1C00, s19;
	[sflag:s28] =	ssyncset.done $0x0  }
0x4b: {  	s16 =	sor.u32 s21, s0;
	[sflag:s28] =	ssyncadd.s32 $0xFFFFD8F0  }
0x4c: {  	v2 =	vld [tilespmem:s16+$0x6480]  }
0x4d: {  	v3 =	vld [tilespmem:s16+$0x6500]  }
0x4e: {  	v4 =	vld [tilespmem:s16+$0x6580]  }
0x4f: {  	v5 =	vld [tilespmem:s16+$0x6600]  }
0x50: {  	v6 =	vld [tilespmem:s16+$0x6680]  }
0x51: {  	v7 =	vld [tilespmem:s16+$0x6700]  }
0x52: {  	s23 =	simm.s32 $0x10;
	s24 =	simm.s32 $0x80;
	v8 =	vld [tilespmem:s16+$0x6780]  }
0x53: {  	s0 =	sand.u32 $0x70, s23;
	s3 =	sand.u32 $0x1C00, s24;
	v9 =	vld [tilespmem:s16+$0x6800]  }
0x54: {  	s3 =	sor.u32 s0, s3;
	v10 =	vld [tilespmem:s16+$0x7880]  }
0x55: {  	v11 =	vld [tilespmem:s3+$0x6480]  }
0x56: {  	v12 =	vld [tilespmem:s16+$0x7900];
	v2 =	vadd.f32 $0.0e+00, v2  }
0x57: {  	v13 =	vld [tilespmem:s3+$0x6500]  }
0x58: {  	v14 =	vld [tilespmem:s3+$0x6580];
	v2 =	vadd.f32 v3, v2  }
0x59: {  	v15 =	vld [tilespmem:s3+$0x6600]  }
0x5a: {  	v52 =	vld [tilespmem:s3+$0x6680];
	v11 =	vadd.f32 $0.0e+00, v11;
	v2 =	vadd.f32 v4, v2  }
0x5b: {  	v53 =	vld [tilespmem:s3+$0x6700]  }
0x5c: {  	s19 =	sadd.s32 $0x0, s8;
	v54 =	vld [tilespmem:s3+$0x6780];
	v11 =	vadd.f32 v13, v11;
	v2 =	vadd.f32 v5, v2  }
0x5d: {  	s26 =	simm.s32 $0x20;
	s25 =	sand.u32 $0x7F80, s19;
	s23 =	simm.s32 $0x100;
	v55 =	vld [tilespmem:s3+$0x6800]  }
0x5e: {  	s14 =	sor.u32 s21, s25;
	s21 =	sand.u32 $0x70, s26;
	s19 =	sand.u32 $0x1C00, s23;
	v56 =	vld [tilespmem:s3+$0x7880];
	v11 =	vadd.f32 v14, v11;
	v2 =	vadd.f32 v6, v2  }
0x5f: {  	s19 =	sor.u32 s21, s19;
	v57 =	vld [tilespmem:s3+$0x7900]  }
0x60: {  	v58 =	vld [tilespmem:s19+$0x6500];
	v11 =	vadd.f32 v15, v11;
	v2 =	vadd.f32 v7, v2  }
0x61: {  	v59 =	vld [tilespmem:s3+$0x7980]  }
0x62: {  	v60 =	vld [tilespmem:s3+$0x7A00];
	v11 =	vadd.f32 v52, v11;
	v2 =	vadd.f32 v8, v2  }
0x63: {  	v61 =	vld [tilespmem:s3+$0x7A80]  }
0x64: {  	v3 =	vld [tilespmem:s16+$0x7980];
	v11 =	vadd.f32 v53, v11;
	v2 =	vadd.f32 v9, v2  }
0x65: {  	v4 =	vld [tilespmem:s16+$0x7A00]  }
0x66: {  	v11 =	vadd.f32 v54, v11;
	v2 =	vadd.f32 v10, v2;
	v10 =	vld [tilespmem:s19+$0x6480]  }
0x67: {  	v5 =	vld [tilespmem:s16+$0x7A80]  }
0x68: {  	v6 =	vld [tilespmem:s16+$0x7B00];
	v11 =	vadd.f32 v55, v11;
	v2 =	vadd.f32 v12, v2  }
0x69: {  	v7 =	vld [tilespmem:s16+$0x7B80]  }
0x6a: {  	v11 =	vadd.f32 v56, v11;
	v2 =	vadd.f32 v3, v2;
	v3 =	vld [tilespmem:s19+$0x6580]  }
0x6b: {  	v8 =	vld [tilespmem:s16+$0x7C00];
	v10 =	vadd.f32 $0.0e+00, v10  }
0x6c: {  	v11 =	vadd.f32 v57, v11;
	v2 =	vadd.f32 v4, v2;
	v4 =	vld [tilespmem:s19+$0x6600]  }
0x6d: {  	v9 =	vld [tilespmem:s14+$0xB700];
	v10 =	vadd.f32 v58, v10  }
0x6e: {  	v11 =	vadd.f32 v59, v11;
	v2 =	vadd.f32 v5, v2;
	v5 =	vld [tilespmem:s19+$0x6680]  }
0x6f: {  	v3 =	vadd.f32 v3, v10;
	v10 =	vld [tilespmem:s3+$0x7B00]  }
0x70: {  	v11 =	vadd.f32 v60, v11;
	v2 =	vadd.f32 v6, v2;
	v6 =	vld [tilespmem:s19+$0x6700]  }
0x71: {  	v3 =	vadd.f32 v4, v3;
	v4 =	vld [tilespmem:s3+$0x7B80]  }
0x72: {  	v11 =	vadd.f32 v61, v11;
	v2 =	vadd.f32 v7, v2;
	v7 =	vld [tilespmem:s19+$0x6780]  }
0x73: {  	s23 =	sadd.s32 $0x10, s8;
	v3 =	vadd.f32 v5, v3;
	v5 =	vld [tilespmem:s3+$0x7C00]  }
0x74: {  	s25 =	simm.s32 $0x180;
	s24 =	sand.u32 $0x7F80, s23;
	s14 =	simm.s32 $0x30;
	v2 =	vadd.f32 v8, v2;
	v8 =	vld [tilespmem:s19+$0x6800];
	v10 =	vadd.f32 v10, v11  }
0x75: {  	s16 =	sand.u32 $0x1C00, s25;
	s3 =	sor.u32 s0, s24;
	s0 =	sand.u32 $0x70, s14;
	v11 =	vld [tilespmem:s19+$0x7880];
	v3 =	vadd.f32 v6, v3  }
0x76: {  	v6 =	vld [tilespmem:s3+$0xB700];
	s3 =	sor.u32 s0, s16;
	v4 =	vadd.f32 v4, v10  }
0x77: {  	v2 =	vmax.f32 v2, $1.000000000e+00;
	v10 =	vld [tilespmem:s3+$0x6480];
	v3 =	vadd.f32 v7, v3  }
0x78: {  	(erf) = vrcp.f32 v2;
	v2 =	vld [tilespmem:s19+$0x7900];
	v4 =	vadd.f32 v5, v4  }
0x79: {  	v5 =	vld [tilespmem:s3+$0x6500];
	v3 =	vadd.f32 v8, v3  }
0x7a: {  	v7 =	vld [tilespmem:s19+$0x7980];
	v4 =	vmax.f32 v4, $1.000000000e+00  }
0x7b: {  	v8 =	vld [tilespmem:s3+$0x6580];
	v3 =	vadd.f32 v11, v3;
	(erf) = vrcp.f32 v4  }
0x7c: {  	v4 =	vadd.f32 $0.0e+00, v10;
	v10 =	vld [tilespmem:s19+$0x7A00]  }
0x7d: {  	v11 =	vld [tilespmem:s3+$0x6600];
	v2 =	vadd.f32 v2, v3  }
0x7e: {  	v3 =	vadd.f32 v5, v4;
	v4 =	vld [tilespmem:s19+$0x7A80]  }
0x7f: {  	v5 =	vld [tilespmem:s3+$0x6680];
	v2 =	vadd.f32 v7, v2  }
0x80: {  	v3 =	vadd.f32 v8, v3;
	v7 =	vld [tilespmem:s19+$0x7B00]  }
0x81: {  	v8 =	vpop (erf);
	v2 =	vadd.f32 v10, v2;
	v10 =	vld [tilespmem:s3+$0x6700]  }
0x82: {  	v9 =	vcvt.s32.f32 v9;
	v62 =	vmul.f32 $5.000000000e-01, v8;
	v11 =	vadd.f32 v11, v3;
	v3 =	vld [tilespmem:s19+$0x7B80]  }
0x83: {  	s26 =	sadd.s32 $0x20, s8;
	v8 =	vld [tilespmem:s3+$0x6780];
	v2 =	vadd.f32 v4, v2  }
0x84: {  	s23 =	simm.s32 $0x200;
	s24 =	sand.u32 $0x7F80, s26;
	v12 =	vadd.f32 v9, v62;
	v11 =	vadd.f32 v5, v11;
	v4 =	vld [tilespmem:s19+$0x7C00];
	v63 =	vpop (erf)  }
0x85: {  	s26 =	sor.u32 s21, s24;
	s16 =	simm.s32 $0x8C80;
	s19 =	simm.s32 $0x40;
	v9 =	vld [tilespmem:s3+$0x6800];
	v5 =	vcvt.s32.f32 v6;
	v7 =	vadd.f32 v7, v2;
	v6 =	vmul.f32 $5.000000000e-01, v63  }
0x86: {  	s25 =	sand.u32 $0x1C00, s23;
	s24 =	simm.s32 $0x50;
	s21 =	sand.u32 $0x70, s19;
	[tilespmem:s16+$0x0] =	vst v12;
	v2 =	vld [tilespmem:s26+$0xB700];
	v10 =	vadd.f32 v10, v11  }
.LBB2_6:
0x87: {  	p1 =	sne.s32 s24, $0x270;
	s25 =	sor.u32 s21, s25;
	v11 =	vld [tilespmem:s3+$0x7880];
	v3 =	vadd.f32 v3, v7;
	v5 =	vadd.f32 v5, v6  }
0x88: {  	s16 =	sadd.s32 $0x10, s16;
	v6 =	vld [tilespmem:s25+$0x6480];
	v7 =	vadd.f32 v8, v10  }
0x89: {  	v8 =	vld [tilespmem:s3+$0x7900];
	v3 =	vadd.f32 v4, v3;
	[tilespmem:s16+$0x0] =	vst v5  }
0x8a: {  	v4 =	vld [tilespmem:s25+$0x6500];
	v5 =	vadd.f32 v9, v7  }
0x8b: {  	v7 =	vld [tilespmem:s3+$0x7980];
	v3 =	vmax.f32 v3, $1.000000000e+00  }
0x8c: {  	v9 =	vld [tilespmem:s25+$0x6580];
	v5 =	vadd.f32 v11, v5;
	(erf) = vrcp.f32 v3  }
0x8d: {  	v3 =	vadd.f32 $0.0e+00, v6;
	v6 =	vld [tilespmem:s3+$0x7A00]  }
0x8e: {  	v10 =	vld [tilespmem:s25+$0x6600];
	v5 =	vadd.f32 v8, v5  }
0x8f: {  	v3 =	vadd.f32 v4, v3;
	v4 =	vld [tilespmem:s3+$0x7A80]  }
0x90: {  	v11 =	vld [tilespmem:s25+$0x6680];
	v5 =	vadd.f32 v7, v5  }
0x91: {  	v3 =	vadd.f32 v9, v3;
	v7 =	vld [tilespmem:s3+$0x7B00]  }
0x92: {  	v12 =	vld [tilespmem:s25+$0x6700];
	v5 =	vadd.f32 v6, v5  }
.Ltmp4:
0x93: {  	v9 =	vadd.f32 v10, v3;
	v3 =	vld [tilespmem:s3+$0x7B80];
	(pc) =	sbr.rel @p1 .LBB2_6-.Ltmp4, $4  }
0x94: {  	s26 =	sadd.s32 s14, s8;
	s14 =	smov.u32 s19;
	s19 =	smov.u32 s24;
	v8 =	vld [tilespmem:s25+$0x6780];
	v5 =	vadd.f32 v4, v5  }
0x95: {  	s26 =	sand.u32 $0x7F80, s26;
	v10 =	vadd.f32 v11, v9;
	v4 =	vld [tilespmem:s3+$0x7C00];
	v6 =	vpop (erf);
	s3 =	smov.u32 s25  }
0x96: {  	s23 =	sadd.s32 $0x80, s23;
	s26 =	sor.u32 s0, s26;
	s0 =	smov.u32 s21;
	v9 =	vld [tilespmem:s3+$0x6800];
	v7 =	vadd.f32 v7, v5;
	v5 =	vcvt.s32.f32 v2;
	v6 =	vmul.f32 $5.000000000e-01, v6  }
0x97: {  	s24 =	sadd.s32 $0x10, s24;
	s21 =	sand.u32 $0x70, s19;
	s25 =	sand.u32 $0x1C00, s23;
	v10 =	vadd.f32 v12, v10;
	v2 =	vld [tilespmem:s26+$0xB700]  }
0x98: {  	s23 =	sor.u32 s21, s25  }
0x99: {  	v11 =	vld [tilespmem:s23+$0x6480];
	_ =	sdelay $0x1  }
0x9a: {  	v12 =	vld [tilespmem:s23+$0x6500];
	_ =	sdelay $0x1  }
0x9b: {  	v13 =	vld [tilespmem:s23+$0x6580]  }
0x9c: {  	v11 =	vadd.f32 $0.0e+00, v11  }
0x9d: {  	v14 =	vld [tilespmem:s23+$0x6600]  }
0x9e: {  	v11 =	vadd.f32 v12, v11  }
0x9f: {  	v45 =	vld [tilespmem:s23+$0x6680]  }
0xa0: {  	v11 =	vadd.f32 v13, v11  }
0xa1: {  	v46 =	vld [tilespmem:s23+$0x6700]  }
0xa2: {  	v11 =	vadd.f32 v14, v11  }
0xa3: {  	v47 =	vld [tilespmem:s23+$0x6780]  }
0xa4: {  	v11 =	vadd.f32 v45, v11  }
0xa5: {  	v48 =	vld [tilespmem:s23+$0x6800]  }
0xa6: {  	v49 =	vld [tilespmem:s3+$0x7880];
	v11 =	vadd.f32 v46, v11  }
0xa7: {  	v8 =	vadd.f32 v8, v10;
	v10 =	vld [tilespmem:s23+$0x7880]  }
0xa8: {  	v50 =	vld [tilespmem:s3+$0x7900];
	v11 =	vadd.f32 v47, v11  }
0xa9: {  	v8 =	vadd.f32 v9, v8;
	v9 =	vld [tilespmem:s23+$0x7900]  }
0xaa: {  	v51 =	vld [tilespmem:s3+$0x7980];
	v11 =	vadd.f32 v48, v11  }
0xab: {  	v52 =	vld [tilespmem:s23+$0x7980];
	v8 =	vadd.f32 v49, v8  }
0xac: {  	v10 =	vadd.f32 v10, v11;
	v11 =	vld [tilespmem:s3+$0x7A00]  }
0xad: {  	v53 =	vld [tilespmem:s23+$0x7A00];
	v8 =	vadd.f32 v50, v8  }
0xae: {  	v9 =	vadd.f32 v9, v10;
	v10 =	vld [tilespmem:s3+$0x7A80]  }
0xaf: {  	v54 =	vld [tilespmem:s23+$0x7A80];
	v8 =	vadd.f32 v51, v8  }
0xb0: {  	v55 =	vld [tilespmem:s3+$0x7B00];
	v9 =	vadd.f32 v52, v9  }
0xb1: {  	v8 =	vadd.f32 v11, v8;
	v11 =	vld [tilespmem:s23+$0x7B00]  }
0xb2: {  	v56 =	vld [tilespmem:s3+$0x7B80];
	v9 =	vadd.f32 v53, v9  }
0xb3: {  	v8 =	vadd.f32 v10, v8;
	v10 =	vld [tilespmem:s23+$0x7B80]  }
0xb4: {  	v57 =	vld [tilespmem:s3+$0x7C00];
	v9 =	vadd.f32 v54, v9  }
0xb5: {  	v58 =	vld [tilespmem:s23+$0x7C00];
	v8 =	vadd.f32 v55, v8  }
0xb6: {  	v3 =	vadd.f32 v3, v7;
	v7 =	vadd.f32 v11, v9  }
0xb7: {  	v8 =	vadd.f32 v56, v8  }
0xb8: {  	v3 =	vadd.f32 v4, v3;
	v4 =	vadd.f32 v10, v7  }
0xb9: {  	v7 =	vadd.f32 v57, v8  }
0xba: {  	v3 =	vmax.f32 v3, $1.000000000e+00;
	v4 =	vadd.f32 v58, v4  }
0xbb: {  	(erf) = vrcp.f32 v3;
	v3 =	vmax.f32 v7, $1.000000000e+00  }
0xbc: {  	(erf) = vrcp.f32 v3;
	v3 =	vmax.f32 v4, $1.000000000e+00  }
0xbd: {  	(erf) = vrcp.f32 v3  }
0xbe: {  	s25 =	sadd.s32 s14, s8  }
0xbf: {  	s26 =	sadd.s32 s19, s8;
	s3 =	sand.u32 $0x7F80, s25  }
0xc0: {  	s19 =	sand.u32 $0x7F80, s26;
	s0 =	sor.u32 s0, s3  }
0xc1: {  	s21 =	sor.u32 s21, s19;
	v3 =	vld [tilespmem:s0+$0xB700]  }
0xc2: {  	v4 =	vld [tilespmem:s21+$0xB700];
	_ =	sdelay $0x1  }
0xc3: {  	v7 =	vpop (erf)  }
0xc4: {  	v2 =	vcvt.s32.f32 v2;
	v7 =	vmul.f32 $5.000000000e-01, v7;
	v8 =	vpop (erf)  }
0xc5: {  	v5 =	vadd.f32 v5, v6;
	v3 =	vcvt.s32.f32 v3;
	v6 =	vmul.f32 $5.000000000e-01, v8;
	v8 =	vpop (erf)  }
0xc6: {  	s23 =	sadd.s32 $0x10, s16;
	v2 =	vadd.f32 v2, v7;
	v4 =	vcvt.s32.f32 v4;
	v7 =	vmul.f32 $5.000000000e-01, v8  }
0xc7: {  	[tilespmem:s23+$0x0] =	vst v5;
	s0 =	sadd.s32 $0x10, s23;
	v3 =	vadd.f32 v3, v6  }
0xc8: {  	[tilespmem:s0+$0x0] =	vst v2;
	s0 =	sadd.s32 $0x10, s0;
	v2 =	vadd.f32 v4, v7  }
0xc9: {  	[tilespmem:s0+$0x0] =	vst v3;
	s0 =	sadd.s32 $0x10, s0  }
0xca: {  	[tilespmem:s0+$0x0] =	vst v2  }
0xcb: {  	[spmem:s12] =	stream.linear.scatter [tilespmem:s29], [sflag:$0x3], $0x280, $0x38;
	[tilespmem:$0x11E00] =	vst v63  }
0xcc: {  	_ =	swait.ge [sflag:s20], $0x280  }
0xcd: {  	[sflag:s20] =	ssyncset.done $0x0  }
0xce: {  	[sflag:s20] =	ssyncadd.s32 $0xFFFFFD80  }
0xcf: {  	[bflag:$0x0] =	sbarrier.arrive $0xFFFF  }
0xd0: {  	s24 =	rddreg [dreg:$0x4]  }
0xd1: {  	[tilespmem:s30], [sflag:$0x3] =	stream.linear.gather [spmem:s24], $0x2800, $0x38;
	[tilespmem:$0x11E00] =	vst v63  }
0xd2: {  	_ =	swait.ge [sflag:s20], $0x2800  }
0xd3: {  	s14 =	simm.s32 @!p0 $0x3B80;
	[sflag:s20] =	ssyncset.done $0x0  }
0xd4: {  	s3 =	simm.s32 @!p0 $0x100;
	s0 =	simm.s32 @!p0 $0x80;
	[sflag:s20] =	ssyncadd.s32 $0xFFFFD800  }
0xd5: {  	[tilespmem:s14], [sflag:$0x3] =	stream.strided.gather @!p0 [hbm4b:s7+s0], $0x100, s3, s0, $0x38;
	[tilespmem:$0x11E00] =	vst v63  }
0xd6: {  	s0 =	simm.s32 @!p0 $0x3  }
0xd7: {  	_ =	swait.ge @!p0 [sflag:s0], $0x100  }
0xd8: {  	[sflag:s0] =	ssyncset.done @!p0 $0x0  }
0xd9: {  	[sflag:s0] =	ssyncadd.s32 @!p0 $0xFFFFFF00  }
0xda: {  	_ =	swait.ge [sflag:s31], $0x1380  }
0xdb: {  	[sflag:s31] =	ssyncset.done $0x0  }
0xdc: {  	s25 =	simm.s32 $0x2880;
	[sflag:s31] =	ssyncadd.s32 $0xFFFFEC80  }
0xdd: {  	v2 =	vld [tilespmem:s25+$0x40]  }
0xde: {  	v5 =	vld [tilespmem:s25+$0xFFFFFF80];
	_ =	sdelay $0x1  }
0xdf: {  	v3 =	vld [tilespmem:s25+$0xFFFFFFC0];
	_ =	sdelay $0x1  }
0xe0: {  	v4 =	vld [tilespmem:s25+$0x0];
	_ =	sdelay $0x2  }
0xe1: {  	v2 =	vld.idx.msk [tilespmem:v2+s30+$0x0], $0xffff  }
0xe2: {  	v5 =	vld.idx.msk [tilespmem:v5+s30+$0x0], $0xffff;
	_ =	sdelay $0x1  }
0xe3: {  	s26 =	simm.s32 $0x2980;
	v3 =	vld.idx.msk [tilespmem:v3+s30+$0x0], $0xffff  }
0xe4: {  	s14 =	simm.s32 $0xDF80;
	v6 =	vld [tilespmem:s26+$0x40]  }
0xe5: {  	v4 =	vld.idx.msk [tilespmem:v4+s30+$0x0], $0xffff;
	[tilespmem:s14+$0x40] =	vst v2  }
0xe6: {  	[tilespmem:s14+$0xFFFFFF80] =	vst v5;
	v2 =	vld [tilespmem:s25+$0x50]  }
0xe7: {  	v5 =	vld [tilespmem:s25+$0xFFFFFF90]  }
0xe8: {  	v7 =	vld [tilespmem:s26+$0xFFFFFFC0];
	[tilespmem:s14+$0xFFFFFFC0] =	vst v3  }
0xe9: {  	v3 =	vld [tilespmem:s25+$0xFFFFFFD0]  }
0xea: {  	v8 =	vld [tilespmem:s26+$0x0];
	[tilespmem:s14+$0x0] =	vst v4  }
0xeb: {  	s3 =	simm.s32 $0x2A80;
	v4 =	vld [tilespmem:s25+$0x10]  }
0xec: {  	v11 =	vld [tilespmem:s3+$0xFFFFFFC0]  }
0xed: {  	v59 =	vld [tilespmem:s3+$0x0]  }
0xee: {  	v2 =	vld.idx.msk [tilespmem:v2+s30+$0x0], $0xffff  }
0xef: {  	v5 =	vld.idx.msk [tilespmem:v5+s30+$0x0], $0xffff  }
0xf0: {  	v6 =	vld.idx.msk [tilespmem:v6+s30+$0x0], $0xffff  }
0xf1: {  	v3 =	vld.idx.msk [tilespmem:v3+s30+$0x0], $0xffff  }
0xf2: {  	v7 =	vld.idx.msk [tilespmem:v7+s30+$0x0], $0xffff  }
0xf3: {  	v4 =	vld.idx.msk [tilespmem:v4+s30+$0x0], $0xffff;
	[tilespmem:s14+$0x50] =	vst v2  }
0xf4: {  	[tilespmem:s14+$0xFFFFFF90] =	vst v5;
	v5 =	vld [tilespmem:s26+$0xFFFFFF80]  }
0xf5: {  	v2 =	vld [tilespmem:s25+$0x60]  }
0xf6: {  	v11 =	vld.idx.msk [tilespmem:v11+s30+$0x0], $0xffff;
	[tilespmem:s14+$0xFFFFFFD0] =	vst v3  }
0xf7: {  	v3 =	vld [tilespmem:s25+$0xFFFFFFE0]  }
0xf8: {  	s0 =	simm.s32 $0xE080;
	[tilespmem:s14+$0x10] =	vst v4;
	v4 =	vld [tilespmem:s25+$0xFFFFFFA0]  }
0xf9: {  	v8 =	vld.idx.msk [tilespmem:v8+s30+$0x0], $0xffff;
	[tilespmem:s0+$0x40] =	vst v6  }
0xfa: {  	[tilespmem:s0+$0xFFFFFFC0] =	vst v7;
	v7 =	vld [tilespmem:s26+$0x50]  }
0xfb: {  	v9 =	vld [tilespmem:s25+$0x20]  }
0xfc: {  	s16 =	simm.s32 $0xE180;
	v5 =	vld.idx.msk [tilespmem:v5+s30+$0x0], $0xffff  }
0xfd: {  	[tilespmem:s16+$0xFFFFFFC0] =	vst v11;
	v2 =	vld.idx.msk [tilespmem:v2+s30+$0x0], $0xffff  }
0xfe: {  	v61 =	vld [tilespmem:s3+$0xFFFFFFD0]  }
0xff: {  	v3 =	vld.idx.msk [tilespmem:v3+s30+$0x0], $0xffff  }
0x100: {  	[tilespmem:s0+$0x0] =	vst v8;
	v4 =	vld.idx.msk [tilespmem:v4+s30+$0x0], $0xffff  }
0x101: {  	[tilespmem:s0+$0xFFFFFF80] =	vst v5;
	v5 =	vld [tilespmem:s26+$0x10]  }
0x102: {  	[tilespmem:s14+$0x60] =	vst v2;
	v8 =	vld [tilespmem:s26+$0xFFFFFF90]  }
0x103: {  	v2 =	vld [tilespmem:s25+$0x70]  }
0x104: {  	v6 =	vld.idx.msk [tilespmem:v9+s30+$0x0], $0xffff  }
0x105: {  	v9 =	vld [tilespmem:s26+$0xFFFFFFD0]  }
0x106: {  	v12 =	vld.idx.msk [tilespmem:v59+s30+$0x0], $0xffff  }
0x107: {  	v13 =	vld.idx.msk [tilespmem:v61+s30+$0x0], $0xffff;
	[tilespmem:s14+$0xFFFFFFA0] =	vst v4  }
0x108: {  	[tilespmem:s14+$0xFFFFFFE0] =	vst v3;
	v3 =	vld [tilespmem:s25+$0xFFFFFFB0]  }
0x109: {  	v5 =	vld.idx.msk [tilespmem:v5+s30+$0x0], $0xffff  }
0x10a: {  	v8 =	vld.idx.msk [tilespmem:v8+s30+$0x0], $0xffff  }
0x10b: {  	[tilespmem:s14+$0x20] =	vst v6;
	v6 =	vld.idx.msk [tilespmem:v2+s30+$0x0], $0xffff  }
0x10c: {  	v2 =	vld.idx.msk [tilespmem:v7+s30+$0x0], $0xffff  }
0x10d: {  	v7 =	vld.idx.msk [tilespmem:v9+s30+$0x0], $0xffff  }
0x10e: {  	v9 =	vld [tilespmem:s3+$0x40]  }
0x10f: {  	v4 =	vld [tilespmem:s25+$0xFFFFFFF0];
	[tilespmem:s0+$0x10] =	vst v5  }
0x110: {  	[tilespmem:s0+$0xFFFFFF90] =	vst v8;
	v8 =	vld [tilespmem:s3+$0xFFFFFF80]  }
0x111: {  	[tilespmem:s0+$0x50] =	vst v2;
	v5 =	vld [tilespmem:s26+$0xFFFFFFA0]  }
0x112: {  	[tilespmem:s0+$0xFFFFFFD0] =	vst v7;
	v2 =	vld [tilespmem:s26+$0x60]  }
0x113: {  	v7 =	vld [tilespmem:s26+$0xFFFFFFE0]  }
0x114: {  	v10 =	vld [tilespmem:s25+$0x30]  }
0x115: {  	v3 =	vld.idx.msk [tilespmem:v3+s30+$0x0], $0xffff  }
0x116: {  	v9 =	vld.idx.msk [tilespmem:v9+s30+$0x0], $0xffff  }
0x117: {  	v60 =	vld [tilespmem:s26+$0x20]  }
0x118: {  	v8 =	vld.idx.msk [tilespmem:v8+s30+$0x0], $0xffff  }
0x119: {  	v5 =	vld.idx.msk [tilespmem:v5+s30+$0x0], $0xffff  }
0x11a: {  	v2 =	vld.idx.msk [tilespmem:v2+s30+$0x0], $0xffff  }
0x11b: {  	[tilespmem:s16+$0x40] =	vst v9;
	v7 =	vld.idx.msk [tilespmem:v7+s30+$0x0], $0xffff  }
0x11c: {  	[tilespmem:s16+$0x0] =	vst v12;
	v11 =	vld [tilespmem:s3+$0x50]  }
0x11d: {  	[tilespmem:s16+$0xFFFFFF80] =	vst v8;
	v8 =	vld [tilespmem:s3+$0x10]  }
0x11e: {  	v62 =	vld [tilespmem:s3+$0xFFFFFF90];
	[tilespmem:s0+$0xFFFFFFA0] =	vst v5  }
0x11f: {  	[tilespmem:s0+$0x60] =	vst v2;
	v5 =	vld [tilespmem:s26+$0xFFFFFFB0]  }
0x120: {  	v2 =	vld [tilespmem:s26+$0x70]  }
0x121: {  	v4 =	vld.idx.msk [tilespmem:v4+s30+$0x0], $0xffff  }
0x122: {  	v9 =	vld.idx.msk [tilespmem:v60+s30+$0x0], $0xffff;
	[tilespmem:s0+$0xFFFFFFE0] =	vst v7  }
0x123: {  	v7 =	vld [tilespmem:s26+$0xFFFFFFF0]  }
0x124: {  	v11 =	vld.idx.msk [tilespmem:v11+s30+$0x0], $0xffff  }
0x125: {  	v63 =	vld.idx.msk [tilespmem:v8+s30+$0x0], $0xffff  }
0x126: {  	[tilespmem:s16+$0xFFFFFFD0] =	vst v13;
	v8 =	vld.idx.msk [tilespmem:v62+s30+$0x0], $0xffff  }
0x127: {  	[tilespmem:s14+$0xFFFFFFB0] =	vst v3;
	v3 =	vld.idx.msk [tilespmem:v5+s30+$0x0], $0xffff  }
0x128: {  	[tilespmem:s0+$0x20] =	vst v9;
	v9 =	vld.idx.msk [tilespmem:v2+s30+$0x0], $0xffff  }
0x129: {  	[tilespmem:s14+$0x70] =	vst v6;
	v5 =	vld.idx.msk [tilespmem:v10+s30+$0x0], $0xffff  }
0x12a: {  	[tilespmem:s14+$0xFFFFFFF0] =	vst v4;
	v2 =	vld [tilespmem:s26+$0x30]  }
0x12b: {  	[tilespmem:s16+$0x50] =	vst v11;
	v4 =	vld.idx.msk [tilespmem:v7+s30+$0x0], $0xffff  }
0x12c: {  	v6 =	vld [tilespmem:s3+$0x60];
	[tilespmem:s16+$0x10] =	vst v63  }
0x12d: {  	s19 =	simm.s32 $0x8;
	s21 =	simm.s32 $0x2B80;
	v7 =	vld [tilespmem:s3+$0xFFFFFFE0];
	[tilespmem:s0+$0x70] =	vst v9  }
.LBB2_8:
0x12e: {  	v9 =	vld [tilespmem:s21+$0x40];
	s19 =	sadd.s32 $0x4, s19;
	[tilespmem:s16+$0xFFFFFF90] =	vst v8  }
0x12f: {  	v8 =	vld [tilespmem:s21+$0xFFFFFFC0];
	p1 =	slt.u32 s19, $0x48;
	[tilespmem:s0+$0xFFFFFFB0] =	vst v3  }
0x130: {  	v3 =	vld [tilespmem:s21+$0x0];
	[tilespmem:s0+$0xFFFFFFF0] =	vst v4  }
0x131: {  	v4 =	vld [tilespmem:s21+$0xFFFFFF80];
	[tilespmem:s14+$0x30] =	vst v5;
	s14 =	smov.u32 s0;
	s0 =	smov.u32 s16  }
0x132: {  	v5 =	vld [tilespmem:s3+$0xFFFFFFA0]  }
0x133: {  	v10 =	vld [tilespmem:s3+$0x20]  }
0x134: {  	v6 =	vld.idx.msk [tilespmem:v6+s30+$0x0], $0xffff  }
0x135: {  	v7 =	vld.idx.msk [tilespmem:v7+s30+$0x0], $0xffff  }
0x136: {  	v9 =	vld.idx.msk [tilespmem:v9+s30+$0x0], $0xffff  }
0x137: {  	v8 =	vld.idx.msk [tilespmem:v8+s30+$0x0], $0xffff  }
0x138: {  	v3 =	vld.idx.msk [tilespmem:v3+s30+$0x0], $0xffff  }
0x139: {  	v4 =	vld.idx.msk [tilespmem:v4+s30+$0x0], $0xffff  }
0x13a: {  	v5 =	vld.idx.msk [tilespmem:v5+s30+$0x0], $0xffff;
	[tilespmem:s16+$0x60] =	vst v6  }
0x13b: {  	s16 =	sadd.s32 $0x100, s16;
	[tilespmem:s0+$0xFFFFFFE0] =	vst v7;
	v6 =	vld [tilespmem:s3+$0x70]  }
0x13c: {  	[tilespmem:s16+$0x40] =	vst v9;
	v7 =	vld.idx.msk [tilespmem:v10+s30+$0x0], $0xffff  }
0x13d: {  	[tilespmem:s16+$0xFFFFFFC0] =	vst v8;
	v8 =	vld [tilespmem:s21+$0x50]  }
0x13e: {  	v9 =	vld [tilespmem:s21+$0xFFFFFFD0];
	[tilespmem:s16+$0x0] =	vst v3  }
0x13f: {  	[tilespmem:s16+$0xFFFFFF80] =	vst v4;
	v3 =	vld [tilespmem:s21+$0x10]  }
0x140: {  	v4 =	vld [tilespmem:s21+$0xFFFFFF90];
	[tilespmem:s0+$0xFFFFFFA0] =	vst v5  }
0x141: {  	v5 =	vld [tilespmem:s3+$0xFFFFFFB0]  }
0x142: {  	v10 =	vld [tilespmem:s3+$0xFFFFFFF0];
	[tilespmem:s0+$0x20] =	vst v7  }
0x143: {  	v6 =	vld.idx.msk [tilespmem:v6+s30+$0x0], $0xffff  }
0x144: {  	v7 =	vld [tilespmem:s3+$0x30];
	s3 =	smov.u32 s21  }
0x145: {  	v11 =	vld.idx.msk [tilespmem:v8+s30+$0x0], $0xffff  }
0x146: {  	v9 =	vld.idx.msk [tilespmem:v9+s30+$0x0], $0xffff  }
0x147: {  	v12 =	vld.idx.msk [tilespmem:v3+s30+$0x0], $0xffff  }
0x148: {  	v8 =	vld.idx.msk [tilespmem:v4+s30+$0x0], $0xffff  }
.Ltmp5:
0x149: {  	v3 =	vld.idx.msk [tilespmem:v5+s30+$0x0], $0xffff;
	[tilespmem:s0+$0x70] =	vst v6;
	(pc) =	sbr.rel @p1 .LBB2_8-.Ltmp5, $4  }
0x14a: {  	v4 =	vld.idx.msk [tilespmem:v10+s30+$0x0], $0xffff  }
0x14b: {  	[tilespmem:s16+$0x50] =	vst v11;
	v5 =	vld.idx.msk [tilespmem:v2+s30+$0x0], $0xffff;
	v2 =	vmov v7  }
0x14c: {  	[tilespmem:s16+$0xFFFFFFD0] =	vst v9;
	v6 =	vld [tilespmem:s21+$0x60]  }
0x14d: {  	s21 =	sadd.s32 $0x100, s21;
	v7 =	vld [tilespmem:s3+$0xFFFFFFE0];
	[tilespmem:s16+$0x10] =	vst v12  }
0x14e: {  	_ = 	snop  }
0x14f: {  	[tilespmem:s16+$0xFFFFFF90] =	vst v8;
	v9 =	vld [tilespmem:s3+$0x20]  }
0x150: {  	v8 =	vld [tilespmem:s3+$0xFFFFFFA0];
	_ =	sdelay $0x4  }
0x151: {  	v6 =	vld.idx.msk [tilespmem:v6+s30+$0x0], $0xffff  }
0x152: {  	v7 =	vld.idx.msk [tilespmem:v7+s30+$0x0], $0xffff  }
0x153: {  	v9 =	vld.idx.msk [tilespmem:v9+s30+$0x0], $0xffff  }
0x154: {  	v8 =	vld.idx.msk [tilespmem:v8+s30+$0x0], $0xffff;
	_ =	sdelay $0x1  }
0x155: {  	[tilespmem:s16+$0x60] =	vst v6  }
0x156: {  	v6 =	vld [tilespmem:s3+$0x70];
	[tilespmem:s16+$0xFFFFFFE0] =	vst v7  }
0x157: {  	v62 =	vld [tilespmem:s3+$0xFFFFFFF0];
	[tilespmem:s16+$0x20] =	vst v9  }
0x158: {  	[tilespmem:s16+$0xFFFFFFA0] =	vst v8;
	v9 =	vld [tilespmem:s3+$0x30]  }
0x159: {  	v61 =	vld [tilespmem:s3+$0xFFFFFFB0];
	_ =	sdelay $0x3  }
0x15a: {  	v2 =	vld.idx.msk [tilespmem:v2+s30+$0x0], $0xffff  }
0x15b: {  	v6 =	vld.idx.msk [tilespmem:v6+s30+$0x0], $0xffff  }
0x15c: {  	[tilespmem:s0+$0xFFFFFFB0] =	vst v3;
	v3 =	vld.idx.msk [tilespmem:v62+s30+$0x0], $0xffff  }
0x15d: {  	[tilespmem:s0+$0xFFFFFFF0] =	vst v4;
	v63 =	vld.idx.msk [tilespmem:v9+s30+$0x0], $0xffff  }
0x15e: {  	[tilespmem:s14+$0x30] =	vst v5;
	v7 =	vld.idx.msk [tilespmem:v61+s30+$0x0], $0xffff  }
0x15f: {  	[tilespmem:s0+$0x30] =	vst v2  }
0x160: {  	[tilespmem:s16+$0x70] =	vst v6  }
0x161: {  	[tilespmem:s16+$0xFFFFFFF0] =	vst v3  }
0x162: {  	[tilespmem:s16+$0x30] =	vst v63  }
0x163: {  	s0 =	simm.s32 $0x0;
	[tilespmem:s16+$0xFFFFFFB0] =	vst v7  }
.LBB2_10:
0x164: {  	s3 =	sshra.s32 s0, $0x2  }
0x165: {  	v2 =	vld [tilespmem:s3+$0x3B00];
	_ =	sdelay $0x5  }
0x166: {  	v3 =	vld [tilespmem:s3+$0x3B10];
	_ =	sdelay $0x1  }
0x167: {  	v2 =	vld.idx.msk [tilespmem:v2+s30+$0x0], $0xffff;
	_ =	sdelay $0x3  }
0x168: {  	v4 =	vld [tilespmem:s3+$0x3B20]  }
0x169: {  	[tilespmem:s3+$0xF200] =	vst v2  }
0x16a: {  	v2 =	vld.idx.msk [tilespmem:v3+s30+$0x0], $0xffff;
	_ =	sdelay $0x3  }
0x16b: {  	v3 =	vld [tilespmem:s3+$0x3B30]  }
0x16c: {  	[tilespmem:s3+$0xF210] =	vst v2  }
0x16d: {  	v2 =	vld.idx.msk [tilespmem:v4+s30+$0x0], $0xffff;
	_ =	sdelay $0x4  }
0x16e: {  	[tilespmem:s3+$0xF220] =	vst v2  }
0x16f: {  	p1 =	sne.s32 s0, $0x100;
	v2 =	vld.idx.msk [tilespmem:v3+s30+$0x0], $0xffff  }
.Ltmp6:
0x170: {  	_ = 	snop;
	(pc) =	sbr.rel @p1 .LBB2_10-.Ltmp6, $2  }
0x171: {  	_ =	sdelay $0x2  }
0x172: {  	s0 =	sadd.s32 $0x100, s0;
	[tilespmem:s3+$0xF230] =	vst v2  }
.Ltmp7:
0x173: {  	s0 =	simm.s32 $0x0;
	(pc) =	sbr.rel @p0 .LBB2_15-.Ltmp7, $4  }
0x174: {  	[hbm4b:s13+s0] =	stream.linear.scatter [tilespmem:s1], [sflag:$0x3], $0x1380, $0x38;
	[tilespmem:$0x11E00] =	vst v63  }
0x175: {  	_ =	swait.ge [sflag:s20], $0x1380  }
0x176: {  	[sflag:s20] =	ssyncset.done $0x0  }
0x177: {  	[sflag:s20] =	ssyncadd.s32 $0xFFFFEC80  }
0x178: {  	s0 =	simm.s32 $0x0  }
0x179: {  	v2 =	vld [tilespmem:s0+$0x3B80];
	_ =	sdelay $0x7  }
0x17a: {  	s3 =	simm.s32 $0x10;
	s14 =	simm.s32 $0x80;
	v2 =	vld.idx.msk [tilespmem:v2+s30+$0x0], $0xffff  }
.LBB2_13:
0x17b: {  	p1 =	sne.s32 s14, $0x3C0;
	v3 =	vld [tilespmem:s3+$0x3B80];
	_ =	sdelay $0x3  }
.Ltmp8:
0x17c: {  	(pc) =	sbr.rel @p1 .LBB2_13-.Ltmp8, $2  }
0x17d: {  	[tilespmem:s0+$0xF280] =	vst v2;
	s0 =	smov.u32 s3;
	_ =	sdelay $0x2  }
0x17e: {  	s3 =	sshra.s32 s14, $0x2;
	s14 =	sadd.s32 $0x40, s14;
	v2 =	vld.idx.msk [tilespmem:v3+s30+$0x0], $0xffff  }
.Ltmp9:
0x17f: {  	_ = 	snop;
	(pc) =	sbr.rel .LBB2_14-.Ltmp9, $1  }
0x180: {  	_ =	sdelay $0x3  }
.LBB2_16:
0x181: {  	_ =	sfence.sel $0x180000  }
0x182: {  	[bflag:$0x0] =	sbarrier.arrive $0xFFFF  }
0x183: {  	_ =	strace $0x90000047  }
0x184: {  	s0 =	stileid.u32;
	[bflag:$0x2] =	sbarrier.arrive $0xFFFF  }
0x185: {  	p0 =	sne.s32 s0, $0x0;
	s0 =	rddreg [dreg:$0x5]  }
0x186: {  	s0 =	sadd.s32 @!p0 $0x100000, s0  }
0x187: {  	[sflag:s0] =	ssyncadd.tile.s32 @!p0 $0x1;
	_ =	shalt  }
.Lfunc_end2:
_tile_overlayer_lowered:
.L_overlay_start_2:
0x188: {  	(tag) =	ssettag $0x2  }
0x189: {  	s0 =	rddreg [dreg:$0x0];
	s2 =	stileid.u32  }
0x18a: {  	s1 =	rddreg [dreg:$0x1];
	p0 =	sne.s32 s2, $0x0  }
0x18b: {  	s3 =	rddreg [dreg:$0x2];
	[bflag:$0x3] =	sbarrier.arrive $0xFFFF;
	s2 =	simm.s32 @!p0 $0x1C03  }
0x18c: {  	[timem:s3], [sflag:s2] =	dma.local @!p0 [hbm:s0], s1  }
0x18d: {  	s0 =	simm.s32 @!p0 $0x3  }
0x18e: {  	_ =	swait.ge @!p0 [sflag:s0], s1  }
0x18f: {  	s1 =	ssub.s32 @!p0 $0x0, s1;
	[sflag:s0] =	ssyncset.done @!p0 $0x0  }
0x190: {  	[sflag:s0] =	ssyncadd.s32 @!p0 s1  }
0x191: {  	[bflag:$0x3] =	sbarrier.arrive $0xFFFF  }
0x192: {  	_ =	shalt  }

</sc_bundles>
